<compile_context>
chip_gen: v7x
topology: tpu7x:2x2x1
jax: 0.10.2.dev20260603
libtpu: 0.0.44.dev20260713+nightly
codegen_flags: <defaults>
</compile_context>

<pallas_src>
import functools

import jax
import jax.numpy as jnp
from jax import lax
from jax.experimental import pallas as pl
from jax.experimental.pallas import tpu as pltpu
from jax.experimental.pallas import tpu_sc as plsc

N = 1_000_000
B = 16_384
NW = 32
RPT = 4
LANES = 128
L = 16


def _body(f_hbm, idx_hbm, out_hbm, idx_v, g_v, sem_g, sem_s):
    c = lax.axis_index("c")
    s = lax.axis_index("s")
    w = s * 2 + c

    pltpu.sync_copy(idx_hbm.at[w], idx_v)

    gcps = [
        pltpu.async_copy(f_hbm.at[idx_v.at[j]], g_v.at[j], sem_g) for j in range(RPT)
    ]
    for cp in gcps:
        cp.wait()

    for j in range(RPT):
        for k in range(LANES // L):
            sl = pl.ds(k * L, L)
            g_v[j, sl] = g_v[j, sl] + 1.0

    scps = [
        pltpu.async_copy(g_v.at[j], out_hbm.at[idx_v.at[j]], sem_s) for j in range(RPT)
    ]
    for cp in scps:
        cp.wait()


def kernel(frequency, selected_indices):
    mesh = plsc.VectorSubcoreMesh(core_axis_name="c", subcore_axis_name="s")
    k = functools.partial(
        pl.kernel,
        mesh=mesh,
        out_type=(),
        compiler_params=pltpu.CompilerParams(needs_layout_passes=False),
        scratch_types=[
            pltpu.VMEM((RPT, LANES), jnp.int32),
            pltpu.VMEM((RPT, LANES), jnp.float32),
            pltpu.SemaphoreType.DMA,
            pltpu.SemaphoreType.DMA,
        ],
    )(_body)
    idx4 = selected_indices.reshape(NW, RPT, LANES)
    out_ref = jax.new_ref(frequency)
    k(frequency, idx4, out_ref)
    return out_ref[...]

# --- scband reference (transcript-rebuilt; emitter-appended) ---
"""Pipeline reference for scband-prompt-frequency-table-58531814310366 (READ-ONLY COPY).

The authoritative reference and input builder live on the scoring server;
editing this copy changes nothing except your own understanding.
"""

import jax, jax.numpy as jnp
import numpy as np

NUM_PROMPTS = 1000000
POOL_SIZE = 32
BATCH = 16384


def setup_inputs(seed: int = 0) -> dict:
    key = jax.random.key(seed)
    k_idx = jax.random.fold_in(key, 1)
    selected_indices = jax.random.randint(k_idx, (BATCH,), 0, NUM_PROMPTS, dtype=jnp.int32)
    # buffer from __init__: torch.ones(num_prompts) / pool_size
    frequency = jnp.ones((NUM_PROMPTS,), dtype=jnp.float32) / POOL_SIZE
    return {"frequency": frequency, "selected_indices": selected_indices}


def reference(frequency, selected_indices):
    # Faithful to torch semantics of `self.frequency[selected_indices] += 1`:
    # torch index_put_ WITHOUT accumulate -> gather original values, add 1, scatter-overwrite.
    # Duplicate indices all write original+1 (not original+count), matching torch.
    gathered = jnp.take(frequency, selected_indices, axis=0)
    updated = frequency.at[selected_indices].set(gathered + 1.0)
    return updated

if __name__ == "__main__":
    import jax
    _d = setup_inputs()
    print(jax.jit(kernel)(*tuple(_d.values())))

</pallas_src>

<mosaic_0001>
#map = affine_map<(d0, d1) -> (0)>
#map1 = affine_map<(d0, d1) -> (0, 0, 0)>
module attributes {stable_mosaic.version = 14 : i64} {
  func.func @new_body(%arg0: i32, %arg1: i32, %arg2: memref<1000000xf32, #tpu.memory_space<hbm>>, %arg3: memref<32x4x128xi32, #tpu.memory_space<hbm>>, %arg4: memref<1000000xf32, #tpu.memory_space<hbm>>, %arg5: memref<1000000xf32, #tpu.memory_space<hbm>>, %arg6: memref<4x128xi32, #tpu.memory_space<vmem>>, %arg7: memref<4x128xf32, #tpu.memory_space<vmem>>, %arg8: memref<!tpu.dma_semaphore, #tpu.memory_space<semaphore_mem>>, %arg9: memref<!tpu.dma_semaphore, #tpu.memory_space<semaphore_mem>>) attributes {dimension_semantics = [#tpu.dimension_semantics<core_parallel>, #tpu.dimension_semantics<subcore_parallel>], iteration_bounds = array<i64: 2, 16>, scalar_prefetch = 0 : i64, scratch_operands = 4 : i64, tpu.core_type = #tpu.core_type<sc_vector_subcore>, window_params = [{transform_indices = #map}, {transform_indices = #map1}, {transform_indices = #map}, {transform_indices = #map}]} {
    %mul3A = arith.constant 2 : i32
    %mul3A_0 = arith.muli %arg1, %mul3A : i32
    %add3A = arith.addi %mul3A_0, %arg0 : i32
    "tpu.region"() ({
      %run_scoped3A = tpu.sem_alloc : memref<!tpu.dma_semaphore, #tpu.memory_space<semaphore_mem>>
      %dma_start3A_509 = arith.constant 0 : i32
      %dma_start3A_510 = arith.constant 0 : i32
      %dma_start3A_511 = tpu.memref_slice %arg3[%add3A, %dma_start3A_509, %dma_start3A_510] : memref<32x4x128xi32, #tpu.memory_space<hbm>> -> memref<1x4x128xi32, #tpu.memory_space<hbm>>
      %dma_start3A_512 = tpu.memref_squeeze %dma_start3A_511 : memref<1x4x128xi32, #tpu.memory_space<hbm>> -> memref<4x128xi32, #tpu.memory_space<hbm>>
      %dma_start3A_513 = arith.constant 0 : i32
      %dma_start3A_514 = arith.constant 0 : i32
      %dma_start3A_515 = tpu.memref_slice %arg3[%add3A, %dma_start3A_513, %dma_start3A_514] : memref<32x4x128xi32, #tpu.memory_space<hbm>> -> memref<1x4x128xi32, #tpu.memory_space<hbm>>
      %dma_start3A_516 = tpu.memref_squeeze %dma_start3A_515 : memref<1x4x128xi32, #tpu.memory_space<hbm>> -> memref<4x128xi32, #tpu.memory_space<hbm>>
      tpu.enqueue_dma source(%dma_start3A_516 : memref<4x128xi32, #tpu.memory_space<hbm>>) target(%arg6 : memref<4x128xi32, #tpu.memory_space<vmem>>) target_semaphore(%run_scoped3A : memref<!tpu.dma_semaphore, #tpu.memory_space<semaphore_mem>>)
      %dma_wait3A_517 = arith.constant 0 : i32
      %dma_wait3A_518 = arith.constant 0 : i32
      %dma_wait3A_519 = tpu.memref_slice %arg3[%add3A, %dma_wait3A_517, %dma_wait3A_518] : memref<32x4x128xi32, #tpu.memory_space<hbm>> -> memref<1x4x128xi32, #tpu.memory_space<hbm>>
      %dma_wait3A_520 = tpu.memref_squeeze %dma_wait3A_519 : memref<1x4x128xi32, #tpu.memory_space<hbm>> -> memref<4x128xi32, #tpu.memory_space<hbm>>
      %dma_wait3A_521 = arith.constant 0 : i32
      %dma_wait3A_522 = arith.constant 0 : i32
      %dma_wait3A_523 = tpu.memref_slice %arg3[%add3A, %dma_wait3A_521, %dma_wait3A_522] : memref<32x4x128xi32, #tpu.memory_space<hbm>> -> memref<1x4x128xi32, #tpu.memory_space<hbm>>
      %dma_wait3A_524 = tpu.memref_squeeze %dma_wait3A_523 : memref<1x4x128xi32, #tpu.memory_space<hbm>> -> memref<4x128xi32, #tpu.memory_space<hbm>>
      tpu.wait_dma2 semaphore(%run_scoped3A : memref<!tpu.dma_semaphore, #tpu.memory_space<semaphore_mem>>) src(%dma_wait3A_524 : memref<4x128xi32, #tpu.memory_space<hbm>>) dst(%arg6 : memref<4x128xi32, #tpu.memory_space<vmem>>)
      tpu.yield
    }) : () -> ()
    %dma_start3A = arith.constant 0 : i32
    %dma_start3A_1 = arith.constant 0 : i32
    %dma_start3A_2 = arith.constant 0 : i32
    %dma_start3A_3 = tpu.memref_slice %arg7[%dma_start3A_1, %dma_start3A_2] : memref<4x128xf32, #tpu.memory_space<vmem>> -> memref<1x128xf32, #tpu.memory_space<vmem>>
    %dma_start3A_4 = tpu.memref_squeeze %dma_start3A_3 : memref<1x128xf32, #tpu.memory_space<vmem>> -> memref<128xf32, #tpu.memory_space<vmem>>
    %dma_start3A_5 = arith.constant 0 : i32
    %dma_start3A_6 = tpu.memref_slice %arg6[%dma_start3A, %dma_start3A_5] : memref<4x128xi32, #tpu.memory_space<vmem>> -> memref<1x128xi32, #tpu.memory_space<vmem>>
    %dma_start3A_7 = tpu.memref_squeeze %dma_start3A_6 : memref<1x128xi32, #tpu.memory_space<vmem>> -> memref<128xi32, #tpu.memory_space<vmem>>
    %dma_start3A_8 = arith.constant 0 : i32
    %dma_start3A_9 = tpu.memref_slice %arg2[%dma_start3A_8] : memref<1000000xf32, #tpu.memory_space<hbm>> -> memref<1000000xf32, #tpu.memory_space<hbm>>
    tpu.enqueue_indirect_dma source(%dma_start3A_9 : memref<1000000xf32, #tpu.memory_space<hbm>>) target(%dma_start3A_4 : memref<128xf32, #tpu.memory_space<vmem>>) offsets(%dma_start3A_7 : memref<128xi32, #tpu.memory_space<vmem>>) semaphore(%arg8 : memref<!tpu.dma_semaphore, #tpu.memory_space<semaphore_mem>>)
    %dma_start3A_10 = arith.constant 1 : i32
    %dma_start3A_11 = arith.constant 1 : i32
    %dma_start3A_12 = arith.constant 0 : i32
    %dma_start3A_13 = tpu.memref_slice %arg7[%dma_start3A_11, %dma_start3A_12] : memref<4x128xf32, #tpu.memory_space<vmem>> -> memref<1x128xf32, #tpu.memory_space<vmem>>
    %dma_start3A_14 = tpu.memref_squeeze %dma_start3A_13 : memref<1x128xf32, #tpu.memory_space<vmem>> -> memref<128xf32, #tpu.memory_space<vmem>>
    %dma_start3A_15 = arith.constant 0 : i32
    %dma_start3A_16 = tpu.memref_slice %arg6[%dma_start3A_10, %dma_start3A_15] : memref<4x128xi32, #tpu.memory_space<vmem>> -> memref<1x128xi32, #tpu.memory_space<vmem>>
    %dma_start3A_17 = tpu.memref_squeeze %dma_start3A_16 : memref<1x128xi32, #tpu.memory_space<vmem>> -> memref<128xi32, #tpu.memory_space<vmem>>
    %dma_start3A_18 = arith.constant 0 : i32
    %dma_start3A_19 = tpu.memref_slice %arg2[%dma_start3A_18] : memref<1000000xf32, #tpu.memory_space<hbm>> -> memref<1000000xf32, #tpu.memory_space<hbm>>
    tpu.enqueue_indirect_dma source(%dma_start3A_19 : memref<1000000xf32, #tpu.memory_space<hbm>>) target(%dma_start3A_14 : memref<128xf32, #tpu.memory_space<vmem>>) offsets(%dma_start3A_17 : memref<128xi32, #tpu.memory_space<vmem>>) semaphore(%arg8 : memref<!tpu.dma_semaphore, #tpu.memory_space<semaphore_mem>>)
    %dma_start3A_20 = arith.constant 2 : i32
    %dma_start3A_21 = arith.constant 2 : i32
    %dma_start3A_22 = arith.constant 0 : i32
    %dma_start3A_23 = tpu.memref_slice %arg7[%dma_start3A_21, %dma_start3A_22] : memref<4x128xf32, #tpu.memory_space<vmem>> -> memref<1x128xf32, #tpu.memory_space<vmem>>
    %dma_start3A_24 = tpu.memref_squeeze %dma_start3A_23 : memref<1x128xf32, #tpu.memory_space<vmem>> -> memref<128xf32, #tpu.memory_space<vmem>>
    %dma_start3A_25 = arith.constant 0 : i32
    %dma_start3A_26 = tpu.memref_slice %arg6[%dma_start3A_20, %dma_start3A_25] : memref<4x128xi32, #tpu.memory_space<vmem>> -> memref<1x128xi32, #tpu.memory_space<vmem>>
    %dma_start3A_27 = tpu.memref_squeeze %dma_start3A_26 : memref<1x128xi32, #tpu.memory_space<vmem>> -> memref<128xi32, #tpu.memory_space<vmem>>
    %dma_start3A_28 = arith.constant 0 : i32
    %dma_start3A_29 = tpu.memref_slice %arg2[%dma_start3A_28] : memref<1000000xf32, #tpu.memory_space<hbm>> -> memref<1000000xf32, #tpu.memory_space<hbm>>
    tpu.enqueue_indirect_dma source(%dma_start3A_29 : memref<1000000xf32, #tpu.memory_space<hbm>>) target(%dma_start3A_24 : memref<128xf32, #tpu.memory_space<vmem>>) offsets(%dma_start3A_27 : memref<128xi32, #tpu.memory_space<vmem>>) semaphore(%arg8 : memref<!tpu.dma_semaphore, #tpu.memory_space<semaphore_mem>>)
    %dma_start3A_30 = arith.constant 3 : i32
    %dma_start3A_31 = arith.constant 3 : i32
    %dma_start3A_32 = arith.constant 0 : i32
    %dma_start3A_33 = tpu.memref_slice %arg7[%dma_start3A_31, %dma_start3A_32] : memref<4x128xf32, #tpu.memory_space<vmem>> -> memref<1x128xf32, #tpu.memory_space<vmem>>
    %dma_start3A_34 = tpu.memref_squeeze %dma_start3A_33 : memref<1x128xf32, #tpu.memory_space<vmem>> -> memref<128xf32, #tpu.memory_space<vmem>>
    %dma_start3A_35 = arith.constant 0 : i32
    %dma_start3A_36 = tpu.memref_slice %arg6[%dma_start3A_30, %dma_start3A_35] : memref<4x128xi32, #tpu.memory_space<vmem>> -> memref<1x128xi32, #tpu.memory_space<vmem>>
    %dma_start3A_37 = tpu.memref_squeeze %dma_start3A_36 : memref<1x128xi32, #tpu.memory_space<vmem>> -> memref<128xi32, #tpu.memory_space<vmem>>
    %dma_start3A_38 = arith.constant 0 : i32
    %dma_start3A_39 = tpu.memref_slice %arg2[%dma_start3A_38] : memref<1000000xf32, #tpu.memory_space<hbm>> -> memref<1000000xf32, #tpu.memory_space<hbm>>
    tpu.enqueue_indirect_dma source(%dma_start3A_39 : memref<1000000xf32, #tpu.memory_space<hbm>>) target(%dma_start3A_34 : memref<128xf32, #tpu.memory_space<vmem>>) offsets(%dma_start3A_37 : memref<128xi32, #tpu.memory_space<vmem>>) semaphore(%arg8 : memref<!tpu.dma_semaphore, #tpu.memory_space<semaphore_mem>>)
    %dma_wait3A = arith.constant 0 : i32
    %dma_wait3A_40 = arith.constant 0 : i32
    %dma_wait3A_41 = arith.constant 0 : i32
    %dma_wait3A_42 = tpu.memref_slice %arg7[%dma_wait3A_40, %dma_wait3A_41] : memref<4x128xf32, #tpu.memory_space<vmem>> -> memref<1x128xf32, #tpu.memory_space<vmem>>
    %dma_wait3A_43 = tpu.memref_squeeze %dma_wait3A_42 : memref<1x128xf32, #tpu.memory_space<vmem>> -> memref<128xf32, #tpu.memory_space<vmem>>
    %dma_wait3A_44 = arith.constant 0 : i32
    %dma_wait3A_45 = tpu.memref_slice %arg6[%dma_wait3A, %dma_wait3A_44] : memref<4x128xi32, #tpu.memory_space<vmem>> -> memref<1x128xi32, #tpu.memory_space<vmem>>
    %dma_wait3A_46 = tpu.memref_squeeze %dma_wait3A_45 : memref<1x128xi32, #tpu.memory_space<vmem>> -> memref<128xi32, #tpu.memory_space<vmem>>
    %dma_wait3A_47 = arith.constant 0 : i32
    %dma_wait3A_48 = tpu.memref_slice %arg2[%dma_wait3A_47] : memref<1000000xf32, #tpu.memory_space<hbm>> -> memref<1000000xf32, #tpu.memory_space<hbm>>
    tpu.wait_indirect_dma semaphore(%arg8 : memref<!tpu.dma_semaphore, #tpu.memory_space<semaphore_mem>>) src(%dma_wait3A_48 : memref<1000000xf32, #tpu.memory_space<hbm>>) dst(%dma_wait3A_43 : memref<128xf32, #tpu.memory_space<vmem>>)
    %dma_wait3A_49 = arith.constant 1 : i32
    %dma_wait3A_50 = arith.constant 1 : i32
    %dma_wait3A_51 = arith.constant 0 : i32
    %dma_wait3A_52 = tpu.memref_slice %arg7[%dma_wait3A_50, %dma_wait3A_51] : memref<4x128xf32, #tpu.memory_space<vmem>> -> memref<1x128xf32, #tpu.memory_space<vmem>>
    %dma_wait3A_53 = tpu.memref_squeeze %dma_wait3A_52 : memref<1x128xf32, #tpu.memory_space<vmem>> -> memref<128xf32, #tpu.memory_space<vmem>>
    %dma_wait3A_54 = arith.constant 0 : i32
    %dma_wait3A_55 = tpu.memref_slice %arg6[%dma_wait3A_49, %dma_wait3A_54] : memref<4x128xi32, #tpu.memory_space<vmem>> -> memref<1x128xi32, #tpu.memory_space<vmem>>
    %dma_wait3A_56 = tpu.memref_squeeze %dma_wait3A_55 : memref<1x128xi32, #tpu.memory_space<vmem>> -> memref<128xi32, #tpu.memory_space<vmem>>
    %dma_wait3A_57 = arith.constant 0 : i32
    %dma_wait3A_58 = tpu.memref_slice %arg2[%dma_wait3A_57] : memref<1000000xf32, #tpu.memory_space<hbm>> -> memref<1000000xf32, #tpu.memory_space<hbm>>
    tpu.wait_indirect_dma semaphore(%arg8 : memref<!tpu.dma_semaphore, #tpu.memory_space<semaphore_mem>>) src(%dma_wait3A_58 : memref<1000000xf32, #tpu.memory_space<hbm>>) dst(%dma_wait3A_53 : memref<128xf32, #tpu.memory_space<vmem>>)
    %dma_wait3A_59 = arith.constant 2 : i32
    %dma_wait3A_60 = arith.constant 2 : i32
    %dma_wait3A_61 = arith.constant 0 : i32
    %dma_wait3A_62 = tpu.memref_slice %arg7[%dma_wait3A_60, %dma_wait3A_61] : memref<4x128xf32, #tpu.memory_space<vmem>> -> memref<1x128xf32, #tpu.memory_space<vmem>>
    %dma_wait3A_63 = tpu.memref_squeeze %dma_wait3A_62 : memref<1x128xf32, #tpu.memory_space<vmem>> -> memref<128xf32, #tpu.memory_space<vmem>>
    %dma_wait3A_64 = arith.constant 0 : i32
    %dma_wait3A_65 = tpu.memref_slice %arg6[%dma_wait3A_59, %dma_wait3A_64] : memref<4x128xi32, #tpu.memory_space<vmem>> -> memref<1x128xi32, #tpu.memory_space<vmem>>
    %dma_wait3A_66 = tpu.memref_squeeze %dma_wait3A_65 : memref<1x128xi32, #tpu.memory_space<vmem>> -> memref<128xi32, #tpu.memory_space<vmem>>
    %dma_wait3A_67 = arith.constant 0 : i32
    %dma_wait3A_68 = tpu.memref_slice %arg2[%dma_wait3A_67] : memref<1000000xf32, #tpu.memory_space<hbm>> -> memref<1000000xf32, #tpu.memory_space<hbm>>
    tpu.wait_indirect_dma semaphore(%arg8 : memref<!tpu.dma_semaphore, #tpu.memory_space<semaphore_mem>>) src(%dma_wait3A_68 : memref<1000000xf32, #tpu.memory_space<hbm>>) dst(%dma_wait3A_63 : memref<128xf32, #tpu.memory_space<vmem>>)
    %dma_wait3A_69 = arith.constant 3 : i32
    %dma_wait3A_70 = arith.constant 3 : i32
    %dma_wait3A_71 = arith.constant 0 : i32
    %dma_wait3A_72 = tpu.memref_slice %arg7[%dma_wait3A_70, %dma_wait3A_71] : memref<4x128xf32, #tpu.memory_space<vmem>> -> memref<1x128xf32, #tpu.memory_space<vmem>>
    %dma_wait3A_73 = tpu.memref_squeeze %dma_wait3A_72 : memref<1x128xf32, #tpu.memory_space<vmem>> -> memref<128xf32, #tpu.memory_space<vmem>>
    %dma_wait3A_74 = arith.constant 0 : i32
    %dma_wait3A_75 = tpu.memref_slice %arg6[%dma_wait3A_69, %dma_wait3A_74] : memref<4x128xi32, #tpu.memory_space<vmem>> -> memref<1x128xi32, #tpu.memory_space<vmem>>
    %dma_wait3A_76 = tpu.memref_squeeze %dma_wait3A_75 : memref<1x128xi32, #tpu.memory_space<vmem>> -> memref<128xi32, #tpu.memory_space<vmem>>
    %dma_wait3A_77 = arith.constant 0 : i32
    %dma_wait3A_78 = tpu.memref_slice %arg2[%dma_wait3A_77] : memref<1000000xf32, #tpu.memory_space<hbm>> -> memref<1000000xf32, #tpu.memory_space<hbm>>
    tpu.wait_indirect_dma semaphore(%arg8 : memref<!tpu.dma_semaphore, #tpu.memory_space<semaphore_mem>>) src(%dma_wait3A_78 : memref<1000000xf32, #tpu.memory_space<hbm>>) dst(%dma_wait3A_73 : memref<128xf32, #tpu.memory_space<vmem>>)
    %get3A = arith.constant 0 : i32
    %get3A_79 = arith.index_cast %get3A : i32 to index
    %get3A_80 = arith.constant 0 : index
    %get3A_81 = tpu.vector_load %arg7[%get3A_79, %get3A_80] {strides = array<i32>} : memref<4x128xf32, #tpu.memory_space<vmem>>, vector<16xf32>,
    %add3A_82 = arith.constant 1.000000e+00 : f32
    %add3A_83 = vector.broadcast %add3A_82 : f32 to vector<16xf32>
    %add3A_84 = arith.addf %get3A_81, %add3A_83 : vector<16xf32>
    %swap3A = arith.constant 0 : i32
    %swap3A_85 = arith.index_cast %swap3A : i32 to index
    %swap3A_86 = arith.constant 0 : index
    %swap3A_87 = tpu.vector_load %arg7[%swap3A_85, %swap3A_86] {strides = array<i32>} : memref<4x128xf32, #tpu.memory_space<vmem>>, vector<16xf32>,
    tpu.vector_store %arg7[%swap3A_85, %swap3A_86], %add3A_84 {strides = array<i32>} : memref<4x128xf32, #tpu.memory_space<vmem>>, vector<16xf32>,
    %get3A_88 = arith.constant 0 : i32
    %get3A_89 = arith.index_cast %get3A_88 : i32 to index
    %get3A_90 = arith.constant 16 : index
    %get3A_91 = tpu.vector_load %arg7[%get3A_89, %get3A_90] {strides = array<i32>} : memref<4x128xf32, #tpu.memory_space<vmem>>, vector<16xf32>,
    %add3A_92 = arith.constant 1.000000e+00 : f32
    %add3A_93 = vector.broadcast %add3A_92 : f32 to vector<16xf32>
    %add3A_94 = arith.addf %get3A_91, %add3A_93 : vector<16xf32>
    %swap3A_95 = arith.constant 0 : i32
    %swap3A_96 = arith.index_cast %swap3A_95 : i32 to index
    %swap3A_97 = arith.constant 16 : index
    %swap3A_98 = tpu.vector_load %arg7[%swap3A_96, %swap3A_97] {strides = array<i32>} : memref<4x128xf32, #tpu.memory_space<vmem>>, vector<16xf32>,
    tpu.vector_store %arg7[%swap3A_96, %swap3A_97], %add3A_94 {strides = array<i32>} : memref<4x128xf32, #tpu.memory_space<vmem>>, vector<16xf32>,
    %get3A_99 = arith.constant 0 : i32
    %get3A_100 = arith.index_cast %get3A_99 : i32 to index
    %get3A_101 = arith.constant 32 : index
    %get3A_102 = tpu.vector_load %arg7[%get3A_100, %get3A_101] {strides = array<i32>} : memref<4x128xf32, #tpu.memory_space<vmem>>, vector<16xf32>,
    %add3A_103 = arith.constant 1.000000e+00 : f32
    %add3A_104 = vector.broadcast %add3A_103 : f32 to vector<16xf32>
    %add3A_105 = arith.addf %get3A_102, %add3A_104 : vector<16xf32>
    %swap3A_106 = arith.constant 0 : i32
    %swap3A_107 = arith.index_cast %swap3A_106 : i32 to index
    %swap3A_108 = arith.constant 32 : index
    %swap3A_109 = tpu.vector_load %arg7[%swap3A_107, %swap3A_108] {strides = array<i32>} : memref<4x128xf32, #tpu.memory_space<vmem>>, vector<16xf32>,
    tpu.vector_store %arg7[%swap3A_107, %swap3A_108], %add3A_105 {strides = array<i32>} : memref<4x128xf32, #tpu.memory_space<vmem>>, vector<16xf32>,
    %get3A_110 = arith.constant 0 : i32
    %get3A_111 = arith.index_cast %get3A_110 : i32 to index
    %get3A_112 = arith.constant 48 : index
    %get3A_113 = tpu.vector_load %arg7[%get3A_111, %get3A_112] {strides = array<i32>} : memref<4x128xf32, #tpu.memory_space<vmem>>, vector<16xf32>,
    %add3A_114 = arith.constant 1.000000e+00 : f32
    %add3A_115 = vector.broadcast %add3A_114 : f32 to vector<16xf32>
    %add3A_116 = arith.addf %get3A_113, %add3A_115 : vector<16xf32>
    %swap3A_117 = arith.constant 0 : i32
    %swap3A_118 = arith.index_cast %swap3A_117 : i32 to index
    %swap3A_119 = arith.constant 48 : index
    %swap3A_120 = tpu.vector_load %arg7[%swap3A_118, %swap3A_119] {strides = array<i32>} : memref<4x128xf32, #tpu.memory_space<vmem>>, vector<16xf32>,
    tpu.vector_store %arg7[%swap3A_118, %swap3A_119], %add3A_116 {strides = array<i32>} : memref<4x128xf32, #tpu.memory_space<vmem>>, vector<16xf32>,
    %get3A_121 = arith.constant 0 : i32
    %get3A_122 = arith.index_cast %get3A_121 : i32 to index
    %get3A_123 = arith.constant 64 : index
    %get3A_124 = tpu.vector_load %arg7[%get3A_122, %get3A_123] {strides = array<i32>} : memref<4x128xf32, #tpu.memory_space<vmem>>, vector<16xf32>,
    %add3A_125 = arith.constant 1.000000e+00 : f32
    %add3A_126 = vector.broadcast %add3A_125 : f32 to vector<16xf32>
    %add3A_127 = arith.addf %get3A_124, %add3A_126 : vector<16xf32>
    %swap3A_128 = arith.constant 0 : i32
    %swap3A_129 = arith.index_cast %swap3A_128 : i32 to index
    %swap3A_130 = arith.constant 64 : index
    %swap3A_131 = tpu.vector_load %arg7[%swap3A_129, %swap3A_130] {strides = array<i32>} : memref<4x128xf32, #tpu.memory_space<vmem>>, vector<16xf32>,
    tpu.vector_store %arg7[%swap3A_129, %swap3A_130], %add3A_127 {strides = array<i32>} : memref<4x128xf32, #tpu.memory_space<vmem>>, vector<16xf32>,
    %get3A_132 = arith.constant 0 : i32
    %get3A_133 = arith.index_cast %get3A_132 : i32 to index
    %get3A_134 = arith.constant 80 : index
    %get3A_135 = tpu.vector_load %arg7[%get3A_133, %get3A_134] {strides = array<i32>} : memref<4x128xf32, #tpu.memory_space<vmem>>, vector<16xf32>,
    %add3A_136 = arith.constant 1.000000e+00 : f32
    %add3A_137 = vector.broadcast %add3A_136 : f32 to vector<16xf32>
    %add3A_138 = arith.addf %get3A_135, %add3A_137 : vector<16xf32>
    %swap3A_139 = arith.constant 0 : i32
    %swap3A_140 = arith.index_cast %swap3A_139 : i32 to index
    %swap3A_141 = arith.constant 80 : index
    %swap3A_142 = tpu.vector_load %arg7[%swap3A_140, %swap3A_141] {strides = array<i32>} : memref<4x128xf32, #tpu.memory_space<vmem>>, vector<16xf32>,
    tpu.vector_store %arg7[%swap3A_140, %swap3A_141], %add3A_138 {strides = array<i32>} : memref<4x128xf32, #tpu.memory_space<vmem>>, vector<16xf32>,
    %get3A_143 = arith.constant 0 : i32
    %get3A_144 = arith.index_cast %get3A_143 : i32 to index
    %get3A_145 = arith.constant 96 : index
    %get3A_146 = tpu.vector_load %arg7[%get3A_144, %get3A_145] {strides = array<i32>} : memref<4x128xf32, #tpu.memory_space<vmem>>, vector<16xf32>,
    %add3A_147 = arith.constant 1.000000e+00 : f32
    %add3A_148 = vector.broadcast %add3A_147 : f32 to vector<16xf32>
    %add3A_149 = arith.addf %get3A_146, %add3A_148 : vector<16xf32>
    %swap3A_150 = arith.constant 0 : i32
    %swap3A_151 = arith.index_cast %swap3A_150 : i32 to index
    %swap3A_152 = arith.constant 96 : index
    %swap3A_153 = tpu.vector_load %arg7[%swap3A_151, %swap3A_152] {strides = array<i32>} : memref<4x128xf32, #tpu.memory_space<vmem>>, vector<16xf32>,
    tpu.vector_store %arg7[%swap3A_151, %swap3A_152], %add3A_149 {strides = array<i32>} : memref<4x128xf32, #tpu.memory_space<vmem>>, vector<16xf32>,
    %get3A_154 = arith.constant 0 : i32
    %get3A_155 = arith.index_cast %get3A_154 : i32 to index
    %get3A_156 = arith.constant 112 : index
    %get3A_157 = tpu.vector_load %arg7[%get3A_155, %get3A_156] {strides = array<i32>} : memref<4x128xf32, #tpu.memory_space<vmem>>, vector<16xf32>,
    %add3A_158 = arith.constant 1.000000e+00 : f32
    %add3A_159 = vector.broadcast %add3A_158 : f32 to vector<16xf32>
    %add3A_160 = arith.addf %get3A_157, %add3A_159 : vector<16xf32>
    %swap3A_161 = arith.constant 0 : i32
    %swap3A_162 = arith.index_cast %swap3A_161 : i32 to index
    %swap3A_163 = arith.constant 112 : index
    %swap3A_164 = tpu.vector_load %arg7[%swap3A_162, %swap3A_163] {strides = array<i32>} : memref<4x128xf32, #tpu.memory_space<vmem>>, vector<16xf32>,
    tpu.vector_store %arg7[%swap3A_162, %swap3A_163], %add3A_160 {strides = array<i32>} : memref<4x128xf32, #tpu.memory_space<vmem>>, vector<16xf32>,
    %get3A_165 = arith.constant 1 : i32
    %get3A_166 = arith.index_cast %get3A_165 : i32 to index
    %get3A_167 = arith.constant 0 : index
    %get3A_168 = tpu.vector_load %arg7[%get3A_166, %get3A_167] {strides = array<i32>} : memref<4x128xf32, #tpu.memory_space<vmem>>, vector<16xf32>,
    %add3A_169 = arith.constant 1.000000e+00 : f32
    %add3A_170 = vector.broadcast %add3A_169 : f32 to vector<16xf32>
    %add3A_171 = arith.addf %get3A_168, %add3A_170 : vector<16xf32>
    %swap3A_172 = arith.constant 1 : i32
    %swap3A_173 = arith.index_cast %swap3A_172 : i32 to index
    %swap3A_174 = arith.constant 0 : index
    %swap3A_175 = tpu.vector_load %arg7[%swap3A_173, %swap3A_174] {strides = array<i32>} : memref<4x128xf32, #tpu.memory_space<vmem>>, vector<16xf32>,
    tpu.vector_store %arg7[%swap3A_173, %swap3A_174], %add3A_171 {strides = array<i32>} : memref<4x128xf32, #tpu.memory_space<vmem>>, vector<16xf32>,
    %get3A_176 = arith.constant 1 : i32
    %get3A_177 = arith.index_cast %get3A_176 : i32 to index
    %get3A_178 = arith.constant 16 : index
    %get3A_179 = tpu.vector_load %arg7[%get3A_177, %get3A_178] {strides = array<i32>} : memref<4x128xf32, #tpu.memory_space<vmem>>, vector<16xf32>,
    %add3A_180 = arith.constant 1.000000e+00 : f32
    %add3A_181 = vector.broadcast %add3A_180 : f32 to vector<16xf32>
    %add3A_182 = arith.addf %get3A_179, %add3A_181 : vector<16xf32>
    %swap3A_183 = arith.constant 1 : i32
    %swap3A_184 = arith.index_cast %swap3A_183 : i32 to index
    %swap3A_185 = arith.constant 16 : index
    %swap3A_186 = tpu.vector_load %arg7[%swap3A_184, %swap3A_185] {strides = array<i32>} : memref<4x128xf32, #tpu.memory_space<vmem>>, vector<16xf32>,
    tpu.vector_store %arg7[%swap3A_184, %swap3A_185], %add3A_182 {strides = array<i32>} : memref<4x128xf32, #tpu.memory_space<vmem>>, vector<16xf32>,
    %get3A_187 = arith.constant 1 : i32
    %get3A_188 = arith.index_cast %get3A_187 : i32 to index
    %get3A_189 = arith.constant 32 : index
    %get3A_190 = tpu.vector_load %arg7[%get3A_188, %get3A_189] {strides = array<i32>} : memref<4x128xf32, #tpu.memory_space<vmem>>, vector<16xf32>,
    %add3A_191 = arith.constant 1.000000e+00 : f32
    %add3A_192 = vector.broadcast %add3A_191 : f32 to vector<16xf32>
    %add3A_193 = arith.addf %get3A_190, %add3A_192 : vector<16xf32>
    %swap3A_194 = arith.constant 1 : i32
    %swap3A_195 = arith.index_cast %swap3A_194 : i32 to index
    %swap3A_196 = arith.constant 32 : index
    %swap3A_197 = tpu.vector_load %arg7[%swap3A_195, %swap3A_196] {strides = array<i32>} : memref<4x128xf32, #tpu.memory_space<vmem>>, vector<16xf32>,
    tpu.vector_store %arg7[%swap3A_195, %swap3A_196], %add3A_193 {strides = array<i32>} : memref<4x128xf32, #tpu.memory_space<vmem>>, vector<16xf32>,
    %get3A_198 = arith.constant 1 : i32
    %get3A_199 = arith.index_cast %get3A_198 : i32 to index
    %get3A_200 = arith.constant 48 : index
    %get3A_201 = tpu.vector_load %arg7[%get3A_199, %get3A_200] {strides = array<i32>} : memref<4x128xf32, #tpu.memory_space<vmem>>, vector<16xf32>,
    %add3A_202 = arith.constant 1.000000e+00 : f32
    %add3A_203 = vector.broadcast %add3A_202 : f32 to vector<16xf32>
    %add3A_204 = arith.addf %get3A_201, %add3A_203 : vector<16xf32>
    %swap3A_205 = arith.constant 1 : i32
    %swap3A_206 = arith.index_cast %swap3A_205 : i32 to index
    %swap3A_207 = arith.constant 48 : index
    %swap3A_208 = tpu.vector_load %arg7[%swap3A_206, %swap3A_207] {strides = array<i32>} : memref<4x128xf32, #tpu.memory_space<vmem>>, vector<16xf32>,
    tpu.vector_store %arg7[%swap3A_206, %swap3A_207], %add3A_204 {strides = array<i32>} : memref<4x128xf32, #tpu.memory_space<vmem>>, vector<16xf32>,
    %get3A_209 = arith.constant 1 : i32
    %get3A_210 = arith.index_cast %get3A_209 : i32 to index
    %get3A_211 = arith.constant 64 : index
    %get3A_212 = tpu.vector_load %arg7[%get3A_210, %get3A_211] {strides = array<i32>} : memref<4x128xf32, #tpu.memory_space<vmem>>, vector<16xf32>,
    %add3A_213 = arith.constant 1.000000e+00 : f32
    %add3A_214 = vector.broadcast %add3A_213 : f32 to vector<16xf32>
    %add3A_215 = arith.addf %get3A_212, %add3A_214 : vector<16xf32>
    %swap3A_216 = arith.constant 1 : i32
    %swap3A_217 = arith.index_cast %swap3A_216 : i32 to index
    %swap3A_218 = arith.constant 64 : index
    %swap3A_219 = tpu.vector_load %arg7[%swap3A_217, %swap3A_218] {strides = array<i32>} : memref<4x128xf32, #tpu.memory_space<vmem>>, vector<16xf32>,
    tpu.vector_store %arg7[%swap3A_217, %swap3A_218], %add3A_215 {strides = array<i32>} : memref<4x128xf32, #tpu.memory_space<vmem>>, vector<16xf32>,
    %get3A_220 = arith.constant 1 : i32
    %get3A_221 = arith.index_cast %get3A_220 : i32 to index
    %get3A_222 = arith.constant 80 : index
    %get3A_223 = tpu.vector_load %arg7[%get3A_221, %get3A_222] {strides = array<i32>} : memref<4x128xf32, #tpu.memory_space<vmem>>, vector<16xf32>,
    %add3A_224 = arith.constant 1.000000e+00 : f32
    %add3A_225 = vector.broadcast %add3A_224 : f32 to vector<16xf32>
    %add3A_226 = arith.addf %get3A_223, %add3A_225 : vector<16xf32>
    %swap3A_227 = arith.constant 1 : i32
    %swap3A_228 = arith.index_cast %swap3A_227 : i32 to index
    %swap3A_229 = arith.constant 80 : index
    %swap3A_230 = tpu.vector_load %arg7[%swap3A_228, %swap3A_229] {strides = array<i32>} : memref<4x128xf32, #tpu.memory_space<vmem>>, vector<16xf32>,
    tpu.vector_store %arg7[%swap3A_228, %swap3A_229], %add3A_226 {strides = array<i32>} : memref<4x128xf32, #tpu.memory_space<vmem>>, vector<16xf32>,
    %get3A_231 = arith.constant 1 : i32
    %get3A_232 = arith.index_cast %get3A_231 : i32 to index
    %get3A_233 = arith.constant 96 : index
    %get3A_234 = tpu.vector_load %arg7[%get3A_232, %get3A_233] {strides = array<i32>} : memref<4x128xf32, #tpu.memory_space<vmem>>, vector<16xf32>,
    %add3A_235 = arith.constant 1.000000e+00 : f32
    %add3A_236 = vector.broadcast %add3A_235 : f32 to vector<16xf32>
    %add3A_237 = arith.addf %get3A_234, %add3A_236 : vector<16xf32>
    %swap3A_238 = arith.constant 1 : i32
    %swap3A_239 = arith.index_cast %swap3A_238 : i32 to index
    %swap3A_240 = arith.constant 96 : index
    %swap3A_241 = tpu.vector_load %arg7[%swap3A_239, %swap3A_240] {strides = array<i32>} : memref<4x128xf32, #tpu.memory_space<vmem>>, vector<16xf32>,
    tpu.vector_store %arg7[%swap3A_239, %swap3A_240], %add3A_237 {strides = array<i32>} : memref<4x128xf32, #tpu.memory_space<vmem>>, vector<16xf32>,
    %get3A_242 = arith.constant 1 : i32
    %get3A_243 = arith.index_cast %get3A_242 : i32 to index
    %get3A_244 = arith.constant 112 : index
    %get3A_245 = tpu.vector_load %arg7[%get3A_243, %get3A_244] {strides = array<i32>} : memref<4x128xf32, #tpu.memory_space<vmem>>, vector<16xf32>,
    %add3A_246 = arith.constant 1.000000e+00 : f32
    %add3A_247 = vector.broadcast %add3A_246 : f32 to vector<16xf32>
    %add3A_248 = arith.addf %get3A_245, %add3A_247 : vector<16xf32>
    %swap3A_249 = arith.constant 1 : i32
    %swap3A_250 = arith.index_cast %swap3A_249 : i32 to index
    %swap3A_251 = arith.constant 112 : index
    %swap3A_252 = tpu.vector_load %arg7[%swap3A_250, %swap3A_251] {strides = array<i32>} : memref<4x128xf32, #tpu.memory_space<vmem>>, vector<16xf32>,
    tpu.vector_store %arg7[%swap3A_250, %swap3A_251], %add3A_248 {strides = array<i32>} : memref<4x128xf32, #tpu.memory_space<vmem>>, vector<16xf32>,
    %get3A_253 = arith.constant 2 : i32
    %get3A_254 = arith.index_cast %get3A_253 : i32 to index
    %get3A_255 = arith.constant 0 : index
    %get3A_256 = tpu.vector_load %arg7[%get3A_254, %get3A_255] {strides = array<i32>} : memref<4x128xf32, #tpu.memory_space<vmem>>, vector<16xf32>,
    %add3A_257 = arith.constant 1.000000e+00 : f32
    %add3A_258 = vector.broadcast %add3A_257 : f32 to vector<16xf32>
    %add3A_259 = arith.addf %get3A_256, %add3A_258 : vector<16xf32>
    %swap3A_260 = arith.constant 2 : i32
    %swap3A_261 = arith.index_cast %swap3A_260 : i32 to index
    %swap3A_262 = arith.constant 0 : index
    %swap3A_263 = tpu.vector_load %arg7[%swap3A_261, %swap3A_262] {strides = array<i32>} : memref<4x128xf32, #tpu.memory_space<vmem>>, vector<16xf32>,
    tpu.vector_store %arg7[%swap3A_261, %swap3A_262], %add3A_259 {strides = array<i32>} : memref<4x128xf32, #tpu.memory_space<vmem>>, vector<16xf32>,
    %get3A_264 = arith.constant 2 : i32
    %get3A_265 = arith.index_cast %get3A_264 : i32 to index
    %get3A_266 = arith.constant 16 : index
    %get3A_267 = tpu.vector_load %arg7[%get3A_265, %get3A_266] {strides = array<i32>} : memref<4x128xf32, #tpu.memory_space<vmem>>, vector<16xf32>,
    %add3A_268 = arith.constant 1.000000e+00 : f32
    %add3A_269 = vector.broadcast %add3A_268 : f32 to vector<16xf32>
    %add3A_270 = arith.addf %get3A_267, %add3A_269 : vector<16xf32>
    %swap3A_271 = arith.constant 2 : i32
    %swap3A_272 = arith.index_cast %swap3A_271 : i32 to index
    %swap3A_273 = arith.constant 16 : index
    %swap3A_274 = tpu.vector_load %arg7[%swap3A_272, %swap3A_273] {strides = array<i32>} : memref<4x128xf32, #tpu.memory_space<vmem>>, vector<16xf32>,
    tpu.vector_store %arg7[%swap3A_272, %swap3A_273], %add3A_270 {strides = array<i32>} : memref<4x128xf32, #tpu.memory_space<vmem>>, vector<16xf32>,
    %get3A_275 = arith.constant 2 : i32
    %get3A_276 = arith.index_cast %get3A_275 : i32 to index
    %get3A_277 = arith.constant 32 : index
    %get3A_278 = tpu.vector_load %arg7[%get3A_276, %get3A_277] {strides = array<i32>} : memref<4x128xf32, #tpu.memory_space<vmem>>, vector<16xf32>,
    %add3A_279 = arith.constant 1.000000e+00 : f32
    %add3A_280 = vector.broadcast %add3A_279 : f32 to vector<16xf32>
    %add3A_281 = arith.addf %get3A_278, %add3A_280 : vector<16xf32>
    %swap3A_282 = arith.constant 2 : i32
    %swap3A_283 = arith.index_cast %swap3A_282 : i32 to index
    %swap3A_284 = arith.constant 32 : index
    %swap3A_285 = tpu.vector_load %arg7[%swap3A_283, %swap3A_284] {strides = array<i32>} : memref<4x128xf32, #tpu.memory_space<vmem>>, vector<16xf32>,
    tpu.vector_store %arg7[%swap3A_283, %swap3A_284], %add3A_281 {strides = array<i32>} : memref<4x128xf32, #tpu.memory_space<vmem>>, vector<16xf32>,
    %get3A_286 = arith.constant 2 : i32
    %get3A_287 = arith.index_cast %get3A_286 : i32 to index
    %get3A_288 = arith.constant 48 : index
    %get3A_289 = tpu.vector_load %arg7[%get3A_287, %get3A_288] {strides = array<i32>} : memref<4x128xf32, #tpu.memory_space<vmem>>, vector<16xf32>,
    %add3A_290 = arith.constant 1.000000e+00 : f32
    %add3A_291 = vector.broadcast %add3A_290 : f32 to vector<16xf32>
    %add3A_292 = arith.addf %get3A_289, %add3A_291 : vector<16xf32>
    %swap3A_293 = arith.constant 2 : i32
    %swap3A_294 = arith.index_cast %swap3A_293 : i32 to index
    %swap3A_295 = arith.constant 48 : index
    %swap3A_296 = tpu.vector_load %arg7[%swap3A_294, %swap3A_295] {strides = array<i32>} : memref<4x128xf32, #tpu.memory_space<vmem>>, vector<16xf32>,
    tpu.vector_store %arg7[%swap3A_294, %swap3A_295], %add3A_292 {strides = array<i32>} : memref<4x128xf32, #tpu.memory_space<vmem>>, vector<16xf32>,
    %get3A_297 = arith.constant 2 : i32
    %get3A_298 = arith.index_cast %get3A_297 : i32 to index
    %get3A_299 = arith.constant 64 : index
    %get3A_300 = tpu.vector_load %arg7[%get3A_298, %get3A_299] {strides = array<i32>} : memref<4x128xf32, #tpu.memory_space<vmem>>, vector<16xf32>,
    %add3A_301 = arith.constant 1.000000e+00 : f32
    %add3A_302 = vector.broadcast %add3A_301 : f32 to vector<16xf32>
    %add3A_303 = arith.addf %get3A_300, %add3A_302 : vector<16xf32>
    %swap3A_304 = arith.constant 2 : i32
    %swap3A_305 = arith.index_cast %swap3A_304 : i32 to index
    %swap3A_306 = arith.constant 64 : index
    %swap3A_307 = tpu.vector_load %arg7[%swap3A_305, %swap3A_306] {strides = array<i32>} : memref<4x128xf32, #tpu.memory_space<vmem>>, vector<16xf32>,
    tpu.vector_store %arg7[%swap3A_305, %swap3A_306], %add3A_303 {strides = array<i32>} : memref<4x128xf32, #tpu.memory_space<vmem>>, vector<16xf32>,
    %get3A_308 = arith.constant 2 : i32
    %get3A_309 = arith.index_cast %get3A_308 : i32 to index
    %get3A_310 = arith.constant 80 : index
    %get3A_311 = tpu.vector_load %arg7[%get3A_309, %get3A_310] {strides = array<i32>} : memref<4x128xf32, #tpu.memory_space<vmem>>, vector<16xf32>,
    %add3A_312 = arith.constant 1.000000e+00 : f32
    %add3A_313 = vector.broadcast %add3A_312 : f32 to vector<16xf32>
    %add3A_314 = arith.addf %get3A_311, %add3A_313 : vector<16xf32>
    %swap3A_315 = arith.constant 2 : i32
    %swap3A_316 = arith.index_cast %swap3A_315 : i32 to index
    %swap3A_317 = arith.constant 80 : index
    %swap3A_318 = tpu.vector_load %arg7[%swap3A_316, %swap3A_317] {strides = array<i32>} : memref<4x128xf32, #tpu.memory_space<vmem>>, vector<16xf32>,
    tpu.vector_store %arg7[%swap3A_316, %swap3A_317], %add3A_314 {strides = array<i32>} : memref<4x128xf32, #tpu.memory_space<vmem>>, vector<16xf32>,
    %get3A_319 = arith.constant 2 : i32
    %get3A_320 = arith.index_cast %get3A_319 : i32 to index
    %get3A_321 = arith.constant 96 : index
    %get3A_322 = tpu.vector_load %arg7[%get3A_320, %get3A_321] {strides = array<i32>} : memref<4x128xf32, #tpu.memory_space<vmem>>, vector<16xf32>,
    %add3A_323 = arith.constant 1.000000e+00 : f32
    %add3A_324 = vector.broadcast %add3A_323 : f32 to vector<16xf32>
    %add3A_325 = arith.addf %get3A_322, %add3A_324 : vector<16xf32>
    %swap3A_326 = arith.constant 2 : i32
    %swap3A_327 = arith.index_cast %swap3A_326 : i32 to index
    %swap3A_328 = arith.constant 96 : index
    %swap3A_329 = tpu.vector_load %arg7[%swap3A_327, %swap3A_328] {strides = array<i32>} : memref<4x128xf32, #tpu.memory_space<vmem>>, vector<16xf32>,
    tpu.vector_store %arg7[%swap3A_327, %swap3A_328], %add3A_325 {strides = array<i32>} : memref<4x128xf32, #tpu.memory_space<vmem>>, vector<16xf32>,
    %get3A_330 = arith.constant 2 : i32
    %get3A_331 = arith.index_cast %get3A_330 : i32 to index
    %get3A_332 = arith.constant 112 : index
    %get3A_333 = tpu.vector_load %arg7[%get3A_331, %get3A_332] {strides = array<i32>} : memref<4x128xf32, #tpu.memory_space<vmem>>, vector<16xf32>,
    %add3A_334 = arith.constant 1.000000e+00 : f32
    %add3A_335 = vector.broadcast %add3A_334 : f32 to vector<16xf32>
    %add3A_336 = arith.addf %get3A_333, %add3A_335 : vector<16xf32>
    %swap3A_337 = arith.constant 2 : i32
    %swap3A_338 = arith.index_cast %swap3A_337 : i32 to index
    %swap3A_339 = arith.constant 112 : index
    %swap3A_340 = tpu.vector_load %arg7[%swap3A_338, %swap3A_339] {strides = array<i32>} : memref<4x128xf32, #tpu.memory_space<vmem>>, vector<16xf32>,
    tpu.vector_store %arg7[%swap3A_338, %swap3A_339], %add3A_336 {strides = array<i32>} : memref<4x128xf32, #tpu.memory_space<vmem>>, vector<16xf32>,
    %get3A_341 = arith.constant 3 : i32
    %get3A_342 = arith.index_cast %get3A_341 : i32 to index
    %get3A_343 = arith.constant 0 : index
    %get3A_344 = tpu.vector_load %arg7[%get3A_342, %get3A_343] {strides = array<i32>} : memref<4x128xf32, #tpu.memory_space<vmem>>, vector<16xf32>,
    %add3A_345 = arith.constant 1.000000e+00 : f32
    %add3A_346 = vector.broadcast %add3A_345 : f32 to vector<16xf32>
    %add3A_347 = arith.addf %get3A_344, %add3A_346 : vector<16xf32>
    %swap3A_348 = arith.constant 3 : i32
    %swap3A_349 = arith.index_cast %swap3A_348 : i32 to index
    %swap3A_350 = arith.constant 0 : index
    %swap3A_351 = tpu.vector_load %arg7[%swap3A_349, %swap3A_350] {strides = array<i32>} : memref<4x128xf32, #tpu.memory_space<vmem>>, vector<16xf32>,
    tpu.vector_store %arg7[%swap3A_349, %swap3A_350], %add3A_347 {strides = array<i32>} : memref<4x128xf32, #tpu.memory_space<vmem>>, vector<16xf32>,
    %get3A_352 = arith.constant 3 : i32
    %get3A_353 = arith.index_cast %get3A_352 : i32 to index
    %get3A_354 = arith.constant 16 : index
    %get3A_355 = tpu.vector_load %arg7[%get3A_353, %get3A_354] {strides = array<i32>} : memref<4x128xf32, #tpu.memory_space<vmem>>, vector<16xf32>,
    %add3A_356 = arith.constant 1.000000e+00 : f32
    %add3A_357 = vector.broadcast %add3A_356 : f32 to vector<16xf32>
    %add3A_358 = arith.addf %get3A_355, %add3A_357 : vector<16xf32>
    %swap3A_359 = arith.constant 3 : i32
    %swap3A_360 = arith.index_cast %swap3A_359 : i32 to index
    %swap3A_361 = arith.constant 16 : index
    %swap3A_362 = tpu.vector_load %arg7[%swap3A_360, %swap3A_361] {strides = array<i32>} : memref<4x128xf32, #tpu.memory_space<vmem>>, vector<16xf32>,
    tpu.vector_store %arg7[%swap3A_360, %swap3A_361], %add3A_358 {strides = array<i32>} : memref<4x128xf32, #tpu.memory_space<vmem>>, vector<16xf32>,
    %get3A_363 = arith.constant 3 : i32
    %get3A_364 = arith.index_cast %get3A_363 : i32 to index
    %get3A_365 = arith.constant 32 : index
    %get3A_366 = tpu.vector_load %arg7[%get3A_364, %get3A_365] {strides = array<i32>} : memref<4x128xf32, #tpu.memory_space<vmem>>, vector<16xf32>,
    %add3A_367 = arith.constant 1.000000e+00 : f32
    %add3A_368 = vector.broadcast %add3A_367 : f32 to vector<16xf32>
    %add3A_369 = arith.addf %get3A_366, %add3A_368 : vector<16xf32>
    %swap3A_370 = arith.constant 3 : i32
    %swap3A_371 = arith.index_cast %swap3A_370 : i32 to index
    %swap3A_372 = arith.constant 32 : index
    %swap3A_373 = tpu.vector_load %arg7[%swap3A_371, %swap3A_372] {strides = array<i32>} : memref<4x128xf32, #tpu.memory_space<vmem>>, vector<16xf32>,
    tpu.vector_store %arg7[%swap3A_371, %swap3A_372], %add3A_369 {strides = array<i32>} : memref<4x128xf32, #tpu.memory_space<vmem>>, vector<16xf32>,
    %get3A_374 = arith.constant 3 : i32
    %get3A_375 = arith.index_cast %get3A_374 : i32 to index
    %get3A_376 = arith.constant 48 : index
    %get3A_377 = tpu.vector_load %arg7[%get3A_375, %get3A_376] {strides = array<i32>} : memref<4x128xf32, #tpu.memory_space<vmem>>, vector<16xf32>,
    %add3A_378 = arith.constant 1.000000e+00 : f32
    %add3A_379 = vector.broadcast %add3A_378 : f32 to vector<16xf32>
    %add3A_380 = arith.addf %get3A_377, %add3A_379 : vector<16xf32>
    %swap3A_381 = arith.constant 3 : i32
    %swap3A_382 = arith.index_cast %swap3A_381 : i32 to index
    %swap3A_383 = arith.constant 48 : index
    %swap3A_384 = tpu.vector_load %arg7[%swap3A_382, %swap3A_383] {strides = array<i32>} : memref<4x128xf32, #tpu.memory_space<vmem>>, vector<16xf32>,
    tpu.vector_store %arg7[%swap3A_382, %swap3A_383], %add3A_380 {strides = array<i32>} : memref<4x128xf32, #tpu.memory_space<vmem>>, vector<16xf32>,
    %get3A_385 = arith.constant 3 : i32
    %get3A_386 = arith.index_cast %get3A_385 : i32 to index
    %get3A_387 = arith.constant 64 : index
    %get3A_388 = tpu.vector_load %arg7[%get3A_386, %get3A_387] {strides = array<i32>} : memref<4x128xf32, #tpu.memory_space<vmem>>, vector<16xf32>,
    %add3A_389 = arith.constant 1.000000e+00 : f32
    %add3A_390 = vector.broadcast %add3A_389 : f32 to vector<16xf32>
    %add3A_391 = arith.addf %get3A_388, %add3A_390 : vector<16xf32>
    %swap3A_392 = arith.constant 3 : i32
    %swap3A_393 = arith.index_cast %swap3A_392 : i32 to index
    %swap3A_394 = arith.constant 64 : index
    %swap3A_395 = tpu.vector_load %arg7[%swap3A_393, %swap3A_394] {strides = array<i32>} : memref<4x128xf32, #tpu.memory_space<vmem>>, vector<16xf32>,
    tpu.vector_store %arg7[%swap3A_393, %swap3A_394], %add3A_391 {strides = array<i32>} : memref<4x128xf32, #tpu.memory_space<vmem>>, vector<16xf32>,
    %get3A_396 = arith.constant 3 : i32
    %get3A_397 = arith.index_cast %get3A_396 : i32 to index
    %get3A_398 = arith.constant 80 : index
    %get3A_399 = tpu.vector_load %arg7[%get3A_397, %get3A_398] {strides = array<i32>} : memref<4x128xf32, #tpu.memory_space<vmem>>, vector<16xf32>,
    %add3A_400 = arith.constant 1.000000e+00 : f32
    %add3A_401 = vector.broadcast %add3A_400 : f32 to vector<16xf32>
    %add3A_402 = arith.addf %get3A_399, %add3A_401 : vector<16xf32>
    %swap3A_403 = arith.constant 3 : i32
    %swap3A_404 = arith.index_cast %swap3A_403 : i32 to index
    %swap3A_405 = arith.constant 80 : index
    %swap3A_406 = tpu.vector_load %arg7[%swap3A_404, %swap3A_405] {strides = array<i32>} : memref<4x128xf32, #tpu.memory_space<vmem>>, vector<16xf32>,
    tpu.vector_store %arg7[%swap3A_404, %swap3A_405], %add3A_402 {strides = array<i32>} : memref<4x128xf32, #tpu.memory_space<vmem>>, vector<16xf32>,
    %get3A_407 = arith.constant 3 : i32
    %get3A_408 = arith.index_cast %get3A_407 : i32 to index
    %get3A_409 = arith.constant 96 : index
    %get3A_410 = tpu.vector_load %arg7[%get3A_408, %get3A_409] {strides = array<i32>} : memref<4x128xf32, #tpu.memory_space<vmem>>, vector<16xf32>,
    %add3A_411 = arith.constant 1.000000e+00 : f32
    %add3A_412 = vector.broadcast %add3A_411 : f32 to vector<16xf32>
    %add3A_413 = arith.addf %get3A_410, %add3A_412 : vector<16xf32>
    %swap3A_414 = arith.constant 3 : i32
    %swap3A_415 = arith.index_cast %swap3A_414 : i32 to index
    %swap3A_416 = arith.constant 96 : index
    %swap3A_417 = tpu.vector_load %arg7[%swap3A_415, %swap3A_416] {strides = array<i32>} : memref<4x128xf32, #tpu.memory_space<vmem>>, vector<16xf32>,
    tpu.vector_store %arg7[%swap3A_415, %swap3A_416], %add3A_413 {strides = array<i32>} : memref<4x128xf32, #tpu.memory_space<vmem>>, vector<16xf32>,
    %get3A_418 = arith.constant 3 : i32
    %get3A_419 = arith.index_cast %get3A_418 : i32 to index
    %get3A_420 = arith.constant 112 : index
    %get3A_421 = tpu.vector_load %arg7[%get3A_419, %get3A_420] {strides = array<i32>} : memref<4x128xf32, #tpu.memory_space<vmem>>, vector<16xf32>,
    %add3A_422 = arith.constant 1.000000e+00 : f32
    %add3A_423 = vector.broadcast %add3A_422 : f32 to vector<16xf32>
    %add3A_424 = arith.addf %get3A_421, %add3A_423 : vector<16xf32>
    %swap3A_425 = arith.constant 3 : i32
    %swap3A_426 = arith.index_cast %swap3A_425 : i32 to index
    %swap3A_427 = arith.constant 112 : index
    %swap3A_428 = tpu.vector_load %arg7[%swap3A_426, %swap3A_427] {strides = array<i32>} : memref<4x128xf32, #tpu.memory_space<vmem>>, vector<16xf32>,
    tpu.vector_store %arg7[%swap3A_426, %swap3A_427], %add3A_424 {strides = array<i32>} : memref<4x128xf32, #tpu.memory_space<vmem>>, vector<16xf32>,
    %dma_start3A_429 = arith.constant 0 : i32
    %dma_start3A_430 = arith.constant 0 : i32
    %dma_start3A_431 = arith.constant 0 : i32
    %dma_start3A_432 = tpu.memref_slice %arg7[%dma_start3A_429, %dma_start3A_431] : memref<4x128xf32, #tpu.memory_space<vmem>> -> memref<1x128xf32, #tpu.memory_space<vmem>>
    %dma_start3A_433 = tpu.memref_squeeze %dma_start3A_432 : memref<1x128xf32, #tpu.memory_space<vmem>> -> memref<128xf32, #tpu.memory_space<vmem>>
    %dma_start3A_434 = arith.constant 0 : i32
    %dma_start3A_435 = tpu.memref_slice %arg6[%dma_start3A_430, %dma_start3A_434] : memref<4x128xi32, #tpu.memory_space<vmem>> -> memref<1x128xi32, #tpu.memory_space<vmem>>
    %dma_start3A_436 = tpu.memref_squeeze %dma_start3A_435 : memref<1x128xi32, #tpu.memory_space<vmem>> -> memref<128xi32, #tpu.memory_space<vmem>>
    %dma_start3A_437 = arith.constant 0 : i32
    %dma_start3A_438 = tpu.memref_slice %arg4[%dma_start3A_437] : memref<1000000xf32, #tpu.memory_space<hbm>> -> memref<1000000xf32, #tpu.memory_space<hbm>>
    tpu.enqueue_indirect_dma source(%dma_start3A_433 : memref<128xf32, #tpu.memory_space<vmem>>) target(%dma_start3A_438 : memref<1000000xf32, #tpu.memory_space<hbm>>) offsets(%dma_start3A_436 : memref<128xi32, #tpu.memory_space<vmem>>) semaphore(%arg9 : memref<!tpu.dma_semaphore, #tpu.memory_space<semaphore_mem>>)
    %dma_start3A_439 = arith.constant 1 : i32
    %dma_start3A_440 = arith.constant 1 : i32
    %dma_start3A_441 = arith.constant 0 : i32
    %dma_start3A_442 = tpu.memref_slice %arg7[%dma_start3A_439, %dma_start3A_441] : memref<4x128xf32, #tpu.memory_space<vmem>> -> memref<1x128xf32, #tpu.memory_space<vmem>>
    %dma_start3A_443 = tpu.memref_squeeze %dma_start3A_442 : memref<1x128xf32, #tpu.memory_space<vmem>> -> memref<128xf32, #tpu.memory_space<vmem>>
    %dma_start3A_444 = arith.constant 0 : i32
    %dma_start3A_445 = tpu.memref_slice %arg6[%dma_start3A_440, %dma_start3A_444] : memref<4x128xi32, #tpu.memory_space<vmem>> -> memref<1x128xi32, #tpu.memory_space<vmem>>
    %dma_start3A_446 = tpu.memref_squeeze %dma_start3A_445 : memref<1x128xi32, #tpu.memory_space<vmem>> -> memref<128xi32, #tpu.memory_space<vmem>>
    %dma_start3A_447 = arith.constant 0 : i32
    %dma_start3A_448 = tpu.memref_slice %arg4[%dma_start3A_447] : memref<1000000xf32, #tpu.memory_space<hbm>> -> memref<1000000xf32, #tpu.memory_space<hbm>>
    tpu.enqueue_indirect_dma source(%dma_start3A_443 : memref<128xf32, #tpu.memory_space<vmem>>) target(%dma_start3A_448 : memref<1000000xf32, #tpu.memory_space<hbm>>) offsets(%dma_start3A_446 : memref<128xi32, #tpu.memory_space<vmem>>) semaphore(%arg9 : memref<!tpu.dma_semaphore, #tpu.memory_space<semaphore_mem>>)
    %dma_start3A_449 = arith.constant 2 : i32
    %dma_start3A_450 = arith.constant 2 : i32
    %dma_start3A_451 = arith.constant 0 : i32
    %dma_start3A_452 = tpu.memref_slice %arg7[%dma_start3A_449, %dma_start3A_451] : memref<4x128xf32, #tpu.memory_space<vmem>> -> memref<1x128xf32, #tpu.memory_space<vmem>>
    %dma_start3A_453 = tpu.memref_squeeze %dma_start3A_452 : memref<1x128xf32, #tpu.memory_space<vmem>> -> memref<128xf32, #tpu.memory_space<vmem>>
    %dma_start3A_454 = arith.constant 0 : i32
    %dma_start3A_455 = tpu.memref_slice %arg6[%dma_start3A_450, %dma_start3A_454] : memref<4x128xi32, #tpu.memory_space<vmem>> -> memref<1x128xi32, #tpu.memory_space<vmem>>
    %dma_start3A_456 = tpu.memref_squeeze %dma_start3A_455 : memref<1x128xi32, #tpu.memory_space<vmem>> -> memref<128xi32, #tpu.memory_space<vmem>>
    %dma_start3A_457 = arith.constant 0 : i32
    %dma_start3A_458 = tpu.memref_slice %arg4[%dma_start3A_457] : memref<1000000xf32, #tpu.memory_space<hbm>> -> memref<1000000xf32, #tpu.memory_space<hbm>>
    tpu.enqueue_indirect_dma source(%dma_start3A_453 : memref<128xf32, #tpu.memory_space<vmem>>) target(%dma_start3A_458 : memref<1000000xf32, #tpu.memory_space<hbm>>) offsets(%dma_start3A_456 : memref<128xi32, #tpu.memory_space<vmem>>) semaphore(%arg9 : memref<!tpu.dma_semaphore, #tpu.memory_space<semaphore_mem>>)
    %dma_start3A_459 = arith.constant 3 : i32
    %dma_start3A_460 = arith.constant 3 : i32
    %dma_start3A_461 = arith.constant 0 : i32
    %dma_start3A_462 = tpu.memref_slice %arg7[%dma_start3A_459, %dma_start3A_461] : memref<4x128xf32, #tpu.memory_space<vmem>> -> memref<1x128xf32, #tpu.memory_space<vmem>>
    %dma_start3A_463 = tpu.memref_squeeze %dma_start3A_462 : memref<1x128xf32, #tpu.memory_space<vmem>> -> memref<128xf32, #tpu.memory_space<vmem>>
    %dma_start3A_464 = arith.constant 0 : i32
    %dma_start3A_465 = tpu.memref_slice %arg6[%dma_start3A_460, %dma_start3A_464] : memref<4x128xi32, #tpu.memory_space<vmem>> -> memref<1x128xi32, #tpu.memory_space<vmem>>
    %dma_start3A_466 = tpu.memref_squeeze %dma_start3A_465 : memref<1x128xi32, #tpu.memory_space<vmem>> -> memref<128xi32, #tpu.memory_space<vmem>>
    %dma_start3A_467 = arith.constant 0 : i32
    %dma_start3A_468 = tpu.memref_slice %arg4[%dma_start3A_467] : memref<1000000xf32, #tpu.memory_space<hbm>> -> memref<1000000xf32, #tpu.memory_space<hbm>>
    tpu.enqueue_indirect_dma source(%dma_start3A_463 : memref<128xf32, #tpu.memory_space<vmem>>) target(%dma_start3A_468 : memref<1000000xf32, #tpu.memory_space<hbm>>) offsets(%dma_start3A_466 : memref<128xi32, #tpu.memory_space<vmem>>) semaphore(%arg9 : memref<!tpu.dma_semaphore, #tpu.memory_space<semaphore_mem>>)
    %dma_wait3A_469 = arith.constant 0 : i32
    %dma_wait3A_470 = arith.constant 0 : i32
    %dma_wait3A_471 = arith.constant 0 : i32
    %dma_wait3A_472 = tpu.memref_slice %arg7[%dma_wait3A_469, %dma_wait3A_471] : memref<4x128xf32, #tpu.memory_space<vmem>> -> memref<1x128xf32, #tpu.memory_space<vmem>>
    %dma_wait3A_473 = tpu.memref_squeeze %dma_wait3A_472 : memref<1x128xf32, #tpu.memory_space<vmem>> -> memref<128xf32, #tpu.memory_space<vmem>>
    %dma_wait3A_474 = arith.constant 0 : i32
    %dma_wait3A_475 = tpu.memref_slice %arg6[%dma_wait3A_470, %dma_wait3A_474] : memref<4x128xi32, #tpu.memory_space<vmem>> -> memref<1x128xi32, #tpu.memory_space<vmem>>
    %dma_wait3A_476 = tpu.memref_squeeze %dma_wait3A_475 : memref<1x128xi32, #tpu.memory_space<vmem>> -> memref<128xi32, #tpu.memory_space<vmem>>
    %dma_wait3A_477 = arith.constant 0 : i32
    %dma_wait3A_478 = tpu.memref_slice %arg4[%dma_wait3A_477] : memref<1000000xf32, #tpu.memory_space<hbm>> -> memref<1000000xf32, #tpu.memory_space<hbm>>
    tpu.wait_indirect_dma semaphore(%arg9 : memref<!tpu.dma_semaphore, #tpu.memory_space<semaphore_mem>>) src(%dma_wait3A_473 : memref<128xf32, #tpu.memory_space<vmem>>) dst(%dma_wait3A_478 : memref<1000000xf32, #tpu.memory_space<hbm>>)
    %dma_wait3A_479 = arith.constant 1 : i32
    %dma_wait3A_480 = arith.constant 1 : i32
    %dma_wait3A_481 = arith.constant 0 : i32
    %dma_wait3A_482 = tpu.memref_slice %arg7[%dma_wait3A_479, %dma_wait3A_481] : memref<4x128xf32, #tpu.memory_space<vmem>> -> memref<1x128xf32, #tpu.memory_space<vmem>>
    %dma_wait3A_483 = tpu.memref_squeeze %dma_wait3A_482 : memref<1x128xf32, #tpu.memory_space<vmem>> -> memref<128xf32, #tpu.memory_space<vmem>>
    %dma_wait3A_484 = arith.constant 0 : i32
    %dma_wait3A_485 = tpu.memref_slice %arg6[%dma_wait3A_480, %dma_wait3A_484] : memref<4x128xi32, #tpu.memory_space<vmem>> -> memref<1x128xi32, #tpu.memory_space<vmem>>
    %dma_wait3A_486 = tpu.memref_squeeze %dma_wait3A_485 : memref<1x128xi32, #tpu.memory_space<vmem>> -> memref<128xi32, #tpu.memory_space<vmem>>
    %dma_wait3A_487 = arith.constant 0 : i32
    %dma_wait3A_488 = tpu.memref_slice %arg4[%dma_wait3A_487] : memref<1000000xf32, #tpu.memory_space<hbm>> -> memref<1000000xf32, #tpu.memory_space<hbm>>
    tpu.wait_indirect_dma semaphore(%arg9 : memref<!tpu.dma_semaphore, #tpu.memory_space<semaphore_mem>>) src(%dma_wait3A_483 : memref<128xf32, #tpu.memory_space<vmem>>) dst(%dma_wait3A_488 : memref<1000000xf32, #tpu.memory_space<hbm>>)
    %dma_wait3A_489 = arith.constant 2 : i32
    %dma_wait3A_490 = arith.constant 2 : i32
    %dma_wait3A_491 = arith.constant 0 : i32
    %dma_wait3A_492 = tpu.memref_slice %arg7[%dma_wait3A_489, %dma_wait3A_491] : memref<4x128xf32, #tpu.memory_space<vmem>> -> memref<1x128xf32, #tpu.memory_space<vmem>>
    %dma_wait3A_493 = tpu.memref_squeeze %dma_wait3A_492 : memref<1x128xf32, #tpu.memory_space<vmem>> -> memref<128xf32, #tpu.memory_space<vmem>>
    %dma_wait3A_494 = arith.constant 0 : i32
    %dma_wait3A_495 = tpu.memref_slice %arg6[%dma_wait3A_490, %dma_wait3A_494] : memref<4x128xi32, #tpu.memory_space<vmem>> -> memref<1x128xi32, #tpu.memory_space<vmem>>
    %dma_wait3A_496 = tpu.memref_squeeze %dma_wait3A_495 : memref<1x128xi32, #tpu.memory_space<vmem>> -> memref<128xi32, #tpu.memory_space<vmem>>
    %dma_wait3A_497 = arith.constant 0 : i32
    %dma_wait3A_498 = tpu.memref_slice %arg4[%dma_wait3A_497] : memref<1000000xf32, #tpu.memory_space<hbm>> -> memref<1000000xf32, #tpu.memory_space<hbm>>
    tpu.wait_indirect_dma semaphore(%arg9 : memref<!tpu.dma_semaphore, #tpu.memory_space<semaphore_mem>>) src(%dma_wait3A_493 : memref<128xf32, #tpu.memory_space<vmem>>) dst(%dma_wait3A_498 : memref<1000000xf32, #tpu.memory_space<hbm>>)
    %dma_wait3A_499 = arith.constant 3 : i32
    %dma_wait3A_500 = arith.constant 3 : i32
    %dma_wait3A_501 = arith.constant 0 : i32
    %dma_wait3A_502 = tpu.memref_slice %arg7[%dma_wait3A_499, %dma_wait3A_501] : memref<4x128xf32, #tpu.memory_space<vmem>> -> memref<1x128xf32, #tpu.memory_space<vmem>>
    %dma_wait3A_503 = tpu.memref_squeeze %dma_wait3A_502 : memref<1x128xf32, #tpu.memory_space<vmem>> -> memref<128xf32, #tpu.memory_space<vmem>>
    %dma_wait3A_504 = arith.constant 0 : i32
    %dma_wait3A_505 = tpu.memref_slice %arg6[%dma_wait3A_500, %dma_wait3A_504] : memref<4x128xi32, #tpu.memory_space<vmem>> -> memref<1x128xi32, #tpu.memory_space<vmem>>
    %dma_wait3A_506 = tpu.memref_squeeze %dma_wait3A_505 : memref<1x128xi32, #tpu.memory_space<vmem>> -> memref<128xi32, #tpu.memory_space<vmem>>
    %dma_wait3A_507 = arith.constant 0 : i32
    %dma_wait3A_508 = tpu.memref_slice %arg4[%dma_wait3A_507] : memref<1000000xf32, #tpu.memory_space<hbm>> -> memref<1000000xf32, #tpu.memory_space<hbm>>
    tpu.wait_indirect_dma semaphore(%arg9 : memref<!tpu.dma_semaphore, #tpu.memory_space<semaphore_mem>>) src(%dma_wait3A_503 : memref<128xf32, #tpu.memory_space<vmem>>) dst(%dma_wait3A_508 : memref<1000000xf32, #tpu.memory_space<hbm>>)
    return
  }
}

</mosaic_0001>

<sc_bundles>
// kernel: kernel.3.cloned.1.call-start
scs
__scs_entry_jumppad:
0x0: {  	(pc) =	sbr.rel $0x88, $3  }
0x1: {  	(tag) =	ssettag $0x0;
	lr =	simm.s32 $0x1  }
0x2: {  	[smem:$0x3F9F] =	sst lr;
	_ =	strace $0xD0000000  }
0x3: {  	_ = 	snop  }
0x4: {  	_ = 	snop  }
0x5: {  	_ = 	snop  }
0x6: {  	_ = 	snop  }
0x7: {  	_ = 	snop  }
__scs_overlays_trampoline_lowered:
0x8: {  	[smem:$0x3FAE] =	sst s0  }
0x9: {  	[smem:$0x3FAF] =	sst s1  }
0xa: {  	[smem:$0x3FB0] =	sst s2  }
0xb: {  	[smem:$0x3FB1] =	sst s3  }
0xc: {  	[smem:$0x3FB2] =	sst s4  }
0xd: {  	[smem:$0x3FB3] =	sst s5  }
0xe: {  	[smem:$0x3FB4] =	sst s6  }
0xf: {  	[smem:$0x3FB5] =	sst s7  }
0x10: {  	[smem:$0x3FB6] =	sst s8  }
0x11: {  	[smem:$0x3FB7] =	sst s9;
	s0 =	simm.s32 @!p0 $0x0  }
0x12: {  	s1 =	sld [smem:$0x3F9D];
	s0 =	simm.s32 @p0 $0x1  }
0x13: {  	[smem:$0x3FB8] =	sst s0;
	s0 =	simm.s32 @!p1 $0x0  }
0x14: {  	s2 =	sld [smem:$0x3F9C];
	s0 =	simm.s32 @p1 $0x1  }
0x15: {  	[smem:$0x3FB9] =	sst s0;
	s0 =	simm.s32 @!p2 $0x0  }
0x16: {  	s3 =	sld [smem:$0x3FDB];
	s0 =	simm.s32 @p2 $0x1  }
0x17: {  	s4 =	simm.s32 $0x1BF5;
	[smem:$0x3FBB] =	sst s0  }
0x18: {  	s0 =	sld [smem:$0x3F9E];
	_ =	swait.ge [sflag:s4], $0x0  }
0x19: {  	s7 =	sld [smem:$0x3F9F]  }
0x1a: {  	s8 =	sadd.s32 $0xFFFFE003, lr  }
0x1b: {  	s9 =	sadd.s32 $0xFFFFFEF7, lr;
	s5 =	simm.s32 $0xFFFFFFFF;
	p2 =	slt.u32 s8, $0xFFFFF086  }
0x1c: {  	p1 =	slt.u32 s9, $0xF7A;
	s5 =	simm.s32 @!p2 $0x0  }
0x1d: {  	s5 =	simm.s32 @p1 $0x1;
	p0 =	seq.s32 s7, s2  }
0x1e: {  	s7 =	smul.u32 @!p0 $0xF7A, s2;
	p2 =	seq.s32 @!p0 s5, $0x0  }
0x1f: {  	s9 =	smul.u32 $0xF7A, s1;
	s8 =	simm.s32 @!p0 $0x1BF5;
	p2 =	por !p2, p0  }
0x20: {  	[sflag:s8] =	ssyncset.s32 @!p0 $0xFFFFF086;
	s6 =	sadd.s32 @!p0 s3, s7;
	s7 =	simm.s32 @!p0 $0x108  }
0x21: {  	s3 =	sadd.s32 s3, s9;
	s6 =	sadd.s32 @!p0 $0x88, s6;
	s7 =	simm.s32 @p2 $0x1082  }
0x22: {  	[simem:s7], [sflag:s8] =	dma.local @!p0 [hbm:s6], $0xF7A  }
0x23: {  	s9 =	sor.u32 $0xD0000000, s2;
	s6 =	simm.s32 $0x108;
	_ =	swait.ge @!p0 [sflag:s8], $0x0  }
0x24: {  	s3 =	sadd.s32 $0x88, s3;
	s6 =	simm.s32 @!p1 $0x1082;
	[sflag:s4] =	ssyncset.s32 $0xFFFFF086  }
0x25: {  	[simem:s6], [sflag:s4] =	dma.local [hbm:s3], $0xF7A  }
0x26: {  	[smem:$0x3F9F] =	sst s1;
	(tag) =	ssettag s2;
	_ =	strace s9  }
0x27: {  	s1 =	sld [smem:$0x3FAF]  }
0x28: {  	s2 =	sld [smem:$0x3FB0]  }
0x29: {  	s4 =	sld [smem:$0x3FB2]  }
0x2a: {  	p0 =	seq.s32 s5, $0x0;
	s5 =	sld [smem:$0x3FB3]  }
0x2b: {  	s6 =	sld [smem:$0x3FB4]  }
0x2c: {  	s7 =	sld [smem:$0x3FB5]  }
0x2d: {  	s3 =	simm.s32 $0x108;
	s8 =	sld [smem:$0x3FB6]  }
0x2e: {  	s3 =	simm.s32 @!p0 $0x1082;
	s9 =	sld [smem:$0x3FB7]  }
0x2f: {  	lr =	sadd.s32 s0, s3;
	s0 =	sld [smem:$0x3FAE]  }
0x30: {  	s3 =	sld [smem:$0x3FB1]  }
0x31: {  	[smem:$0x3FBA] =	sst s10  }
0x32: {  	s10 =	sld [smem:$0x3FB8];
	_ =	sdelay $0x3  }
0x33: {  	p0 =	seq.s32 s10, $0x1;
	s10 =	sld [smem:$0x3FBA];
	_ =	sdelay $0x3  }
0x34: {  	[smem:$0x3FBA] =	sst s10  }
0x35: {  	s10 =	sld [smem:$0x3FB9];
	_ =	sdelay $0x3  }
0x36: {  	p1 =	seq.s32 s10, $0x1;
	s10 =	sld [smem:$0x3FBA];
	_ =	sdelay $0x3  }
0x37: {  	[smem:$0x3FBA] =	sst s10  }
0x38: {  	s10 =	sld [smem:$0x3FBB]  }
0x39: {  	_ = 	snop;
	(pc) =	sbr.ind lr, $3  }
0x3a: {  	_ = 	snop  }
0x3b: {  	_ = 	snop  }
0x3c: {  	p2 =	seq.s32 s10, $0x1;
	s10 =	sld [smem:$0x3FBA]  }
0x3d: {  	_ =	shalt  }
0x3e: {  	_ =	shalt  }
0x3f: {  	_ =	shalt  }
0x40: {  	_ =	shalt  }
0x41: {  	_ =	shalt  }
0x42: {  	_ =	shalt  }
0x43: {  	_ =	shalt  }
0x44: {  	_ =	shalt  }
0x45: {  	_ =	shalt  }
0x46: {  	_ =	shalt  }
0x47: {  	_ =	shalt  }
0x48: {  	_ =	shalt  }
0x49: {  	_ =	shalt  }
0x4a: {  	_ =	shalt  }
0x4b: {  	_ =	shalt  }
0x4c: {  	_ =	shalt  }
0x4d: {  	_ =	shalt  }
0x4e: {  	_ =	shalt  }
0x4f: {  	_ =	shalt  }
0x50: {  	_ =	shalt  }
0x51: {  	_ =	shalt  }
0x52: {  	_ =	shalt  }
0x53: {  	_ =	shalt  }
0x54: {  	_ =	shalt  }
0x55: {  	_ =	shalt  }
0x56: {  	_ =	shalt  }
0x57: {  	_ =	shalt  }
0x58: {  	_ =	shalt  }
0x59: {  	_ =	shalt  }
0x5a: {  	_ =	shalt  }
0x5b: {  	_ =	shalt  }
0x5c: {  	_ =	shalt  }
0x5d: {  	_ =	shalt  }
0x5e: {  	_ =	shalt  }
0x5f: {  	_ =	shalt  }
0x60: {  	_ =	shalt  }
0x61: {  	_ =	shalt  }
0x62: {  	_ =	shalt  }
0x63: {  	_ =	shalt  }
0x64: {  	_ =	shalt  }
0x65: {  	_ =	shalt  }
0x66: {  	_ =	shalt  }
0x67: {  	_ =	shalt  }
0x68: {  	_ =	shalt  }
0x69: {  	_ =	shalt  }
0x6a: {  	_ =	shalt  }
0x6b: {  	_ =	shalt  }
0x6c: {  	_ =	shalt  }
0x6d: {  	_ =	shalt  }
0x6e: {  	_ =	shalt  }
0x6f: {  	_ =	shalt  }
0x70: {  	_ =	shalt  }
0x71: {  	_ =	shalt  }
0x72: {  	_ =	shalt  }
0x73: {  	_ =	shalt  }
0x74: {  	_ =	shalt  }
0x75: {  	_ =	shalt  }
0x76: {  	_ =	shalt  }
0x77: {  	_ =	shalt  }
0x78: {  	_ =	shalt  }
0x79: {  	_ =	shalt  }
0x7a: {  	_ =	shalt  }
0x7b: {  	_ =	shalt  }
0x7c: {  	_ =	shalt  }
0x7d: {  	_ =	shalt  }
0x7e: {  	_ =	shalt  }
0x7f: {  	_ =	shalt  }
0x80: {  	_ =	shalt  }
0x81: {  	_ =	shalt  }
0x82: {  	_ =	shalt  }
0x83: {  	_ =	shalt  }
0x84: {  	_ =	shalt  }
0x85: {  	_ =	shalt  }
0x86: {  	_ =	shalt  }
0x87: {  	_ =	shalt  }
.Lfunc_end0:
.L_simem_size_0:
called_computation_lowered:
.L_overlay_start_0:
0x88: {  	s2 =	sld [smem:$0x3FD9]  }
0x89: {  	s3 =	sld [smem:$0x3FFE];
	_ =	sdelay $0x1  }
0x8a: {  	s1 =	srdreg.scid  }
0x8b: {  	s0 =	sand.u32 $0x1, s1  }
0x8c: {  	s18 =	sshll.u32 s0, $0xA;
	s2 =	sadd.s32 s3, s2  }
0x8d: {  	s2 =	sadd.s32 s2, s18  }
0x8e: {  	[smem:$0x3FC6] =	sst s2  }
0x8f: {  	_ = 	snop  }
0x90: {  	s2 =	sld [smem:$0x3FC9]  }
0x91: {  	s19 =	sld [smem:$0x3FC8]  }
0x92: {  	s4 =	sld [smem:$0x3FD0];
	(tm) =	ssettm $0x1  }
0x93: {  	s5 =	sld [smem:$0x3FFB];
	_ =	sdelay $0x3  }
0x94: {  	_ =	strace s5  }
0x95: {  	s5 =	sld [smem:$0x3FFC];
	_ =	sdelay $0x3  }
0x96: {  	_ =	strace s5  }
0x97: {  	s5 =	sld [smem:$0x3FFD];
	_ =	sdelay $0x3  }
0x98: {  	_ =	strace s5  }
0x99: {  	_ =	strace $0x8FFFFFFF  }
0x9a: {  	s20 =	sld [smem:$0x3FDB];
	_ =	sdelay $0x1  }
0x9b: {  	s6 =	simm.s32 $_scs_section_size  }
0x9c: {  	s7 =	simm.s32 $_size__tile_overlayer_lowered;
	s8 =	simm.s32 $_tile_overlayer_lowered  }
0x9d: {  	s23 =	simm.s32 $0x1BFF;
	s22 =	sshll.u32 s8, $0x1;
	s5 =	sadd.s32 s6, s20  }
0x9e: {  	s9 =	simm.s32 $0x0;
	s21 =	sshll.u32 s7, $0x1;
	s7 =	sadd.s32 s22, s5  }
0x9f: {  	[timem:s9], [sflag:s23] =	dma.local [hbm:s7], s21  }
0xa0: {  	_ =	swait.ge [sflag:s23], s21  }
0xa1: {  	s6 =	ssub.s32 $0x0, s21;
	[sflag:s23] =	ssyncset.done $0x0  }
0xa2: {  	[sflag:s23] =	ssyncadd.s32 s6;
	_ =	sdelay $0x1  }
0xa3: {  	s24 =	simm.s32 $0x1B8B  }
0xa4: {  	_ =	swait.ge [sflag:s24], $0x1  }
0xa5: {  	[sflag:s24] =	ssyncset.done $0x0  }
0xa6: {  	s25 =	simm.s32 $0x1B8E;
	[sflag:s24] =	ssyncadd.s32 $0xFFFFFFFF  }
0xa7: {  	s26 =	simm.s32 $execute0_lowered;
	[smem:$0x3FD2] =	sst s25  }
0xa8: {  	s6 =	sshll.u32 s26, $0x1;
	_ =	strace $0x80000046;
	[dreg:$0x1] =	wrdreg $0xFFFFFFFF  }
0xa9: {  	s28 =	simm.s32 $_size_execute0_lowered;
	s5 =	sadd.s32 s5, s6;
	[dreg:$0x0] =	wrdreg $0x0  }
0xaa: {  	s6 =	sshll.u32 s28, $0x1;
	[dreg:$0x2] =	wrdreg s5  }
0xab: {  	[dreg:$0x3] =	wrdreg s6  }
0xac: {  	[dreg:$0x4] =	wrdreg $0xC0  }
0xad: {  	_ =	task [dreg:s9], $0x5FFFF  }
0xae: {  	[dreg:$0x1] =	wrdreg $0xFFFFFFFF  }
0xaf: {  	[dreg:$0x0] =	wrdreg $0x60  }
0xb0: {  	[dreg:$0x2] =	wrdreg s2  }
0xb1: {  	[dreg:$0x3] =	wrdreg s19  }
0xb2: {  	[dreg:$0x4] =	wrdreg s4  }
0xb3: {  	[dreg:$0x5] =	wrdreg $0x9  }
0xb4: {  	_ =	task.clear_ibuf [dreg:s9], $0x6FFFF;
	_ =	strace $0x90000046  }
0xb5: {  	s29 =	simm.s32 $0x9;
	_ =	strace $0x80000048  }
0xb6: {  	_ =	swait.ge [sflag:s29], $0x1  }
0xb7: {  	[sflag:s29] =	ssyncadd.s32 $0xFFFFFFFF  }
0xb8: {  	_ =	strace $0x90000048  }
0xb9: {  	_ =	sfence  }
0xba: {  	s30 =	sld [smem:$0x0];
	_ =	sdelay $0x2  }
0xbb: {  	s31 =	sshll.u32 s1, $0xD;
	s1 =	sshrl.u32 s1, $0x2  }
0xbc: {  	s3 =	sand.u32 $0x4000, s31;
	s1 =	sadd.s32 s1, s30  }
0xbd: {  	s0 =	sor.u32 s3, s0;
	s1 =	sshll.u32 s1, $0x11  }
0xbe: {  	s0 =	sor.u32 s1, s0  }
0xbf: {  	s0 =	sadd.s32 $0x8F2B, s0  }
0xc0: {  	[sflag:s0] =	ssyncadd.remote.s32 $0x1  }
0xc1: {  	_ =	sfence.sel $0xFFFF  }
0xc2: {  	[dreg:$0x0] =	wrdreg $0xFFFFFFFF;
	(pc) =	sbr.abs _section_cstart, $3  }
0xc3: {  	[dreg:$0x1] =	wrdreg $0xFFFFFFFF  }
0xc4: {  	_ =	task.clear_ibuf [dreg:s9], $0x2FFFF;
	_ =	strace $0x9FFFFFFF  }
0xc5: {  	(tm) =	ssettm $0x7FFFFFFF  }
tec
execute0_lowered:
.L_overlay_start_1:
0x0: {  	(tag) =	ssettag $0x1  }
0x1: {  	s12 =	rddreg [dreg:$0x0]  }
0x2: {  	s4 =	rddreg [dreg:$0x1]  }
0x3: {  	s2 =	rddreg [dreg:$0x2];
	s1 =	srdreg.scid  }
0x4: {  	s0 =	rddreg [dreg:$0x3];
	s11 =	sand.u32 $0x1, s1  }
0x5: {  	s3 =	simm.s32 $0x0;
	s1 =	stileid.u32;
	s5 =	sshll.u32 s11, $0x6  }
0x6: {  	[smem:$0x7FF] =	sst s3;
	s6 =	sshll.u32 s1, $0x7;
	s4 =	sadd.s32 s4, s5  }
0x7: {  	s14 =	simm.s32 $0x3;
	_ =	strace $0x80000047;
	s13 =	sadd.s32 s6, s4  }
0x8: {  	[tilespmem:s3], [sflag:$0x3] =	stream.linear.gather [hbm4b:s13+s3], $0x200, $0x38;
	[tilespmem:$0x400] =	vst v63  }
0x9: {  	_ =	swait.ge [sflag:s14], $0x200  }
0xa: {  	[sflag:s14] =	ssyncset.done $0x0  }
0xb: {  	s5 =	simm.s32 $0x200;
	s4 =	simm.s32 $0x80;
	[sflag:s14] =	ssyncadd.s32 $0xFFFFFE00  }
0xc: {  	[tilespmem:s5], [sflag:$0x1] =	stream.indirect.gather [hbm4b:s12+s4], $0x1, s3, s4, $0xb8;
	[tilespmem:$0x400] =	vst v63  }
0xd: {  	s6 =	simm.s32 $0x280  }
0xe: {  	[tilespmem:s6], [sflag:$0x1] =	stream.indirect.gather [hbm4b:s12+s4], $0x1, s4, s4, $0xb8;
	[tilespmem:$0x400] =	vst v63  }
0xf: {  	s7 =	simm.s32 $0x100;
	s8 =	simm.s32 $0x300  }
0x10: {  	[tilespmem:s8], [sflag:$0x1] =	stream.indirect.gather [hbm4b:s12+s4], $0x1, s7, s4, $0xb8;
	[tilespmem:$0x400] =	vst v63  }
0x11: {  	s9 =	simm.s32 $0x180;
	s10 =	simm.s32 $0x380;
	s15 =	simm.s32 $0x1  }
0x12: {  	[tilespmem:s10], [sflag:$0x1] =	stream.indirect.gather [hbm4b:s12+s4], $0x1, s9, s4, $0xb8;
	[tilespmem:$0x400] =	vst v63  }
0x13: {  	_ =	swait.ge [sflag:s15], $0x80  }
0x14: {  	[sflag:s15] =	ssyncset.done $0x0  }
0x15: {  	[sflag:s15] =	ssyncadd.s32 $0xFFFFFF80  }
0x16: {  	_ =	swait.ge [sflag:s15], $0x80  }
0x17: {  	s11 =	ssub.s32 $0x2, s11;
	[sflag:s15] =	ssyncset.done $0x0  }
0x18: {  	s16 =	sshrl.u32 s11, $0x1;
	[sflag:s15] =	ssyncadd.s32 $0xFFFFFF80  }
0x19: {  	s11 =	ssub.s32 s11, s16;
	_ =	swait.ge [sflag:s15], $0x80  }
0x1a: {  	s16 =	smax.u32 s11, $0x1;
	[sflag:s15] =	ssyncset.done $0x0  }
0x1b: {  	p0 =	sne.s32 s16, $0x1;
	[sflag:s15] =	ssyncadd.s32 $0xFFFFFF80  }
.Ltmp0:
0x1c: {  	_ =	swait.ge [sflag:s15], $0x80;
	(pc) =	sbr.rel @!p0 .LBB2_2-.Ltmp0, $4  }
0x1d: {  	[sflag:s15] =	ssyncset.done $0x0  }
0x1e: {  	[sflag:s15] =	ssyncadd.s32 $0xFFFFFF80  }
0x1f: {  	v0 =	vld [tilespmem:$0x3A0]  }
0x20: {  	s11 =	simm.s32 $0x2;
	s16 =	sadd.s32 $0xFFFFFFFF, s16;
	v1 =	vld [tilespmem:$0x3B0]  }
.LBB2_1:
0x21: {  	p0 =	sne.s32 s16, $0x1;
	s16 =	sadd.s32 $0xFFFFFFFF, s16;
	v2 =	vld [tilespmem:$0x3C0]  }
0x22: {  	v3 =	vld [tilespmem:$0x360]  }
0x23: {  	v4 =	vld [tilespmem:$0x380]  }
0x24: {  	v5 =	vld [tilespmem:$0x370]  }
0x25: {  	v6 =	vld [tilespmem:$0x230]  }
0x26: {  	v7 =	vld [tilespmem:$0x200]  }
0x27: {  	v3 =	vadd.f32 $1.000000000e+00, v3;
	v8 =	vld [tilespmem:$0x3E0]  }
0x28: {  	v2 =	vadd.f32 $1.000000000e+00, v2;
	v4 =	vadd.f32 $1.000000000e+00, v4;
	v9 =	vld [tilespmem:$0x390]  }
0x29: {  	v1 =	vadd.f32 $1.000000000e+00, v1;
	v10 =	vld [tilespmem:$0x250];
	[tilespmem:$0x360] =	vst v3;
	v3 =	vadd.f32 $1.000000000e+00, v5  }
0x2a: {  	v0 =	vadd.f32 $1.000000000e+00, v0;
	v5 =	vadd.f32 $1.000000000e+00, v6;
	[tilespmem:$0x380] =	vst v4;
	v4 =	vld [tilespmem:$0x3F0]  }
0x2b: {  	v6 =	vadd.f32 $1.000000000e+00, v7;
	v7 =	vld [tilespmem:$0x340];
	[tilespmem:$0x3B0] =	vst v1  }
0x2c: {  	v1 =	vld [tilespmem:$0x240];
	[tilespmem:$0x3C0] =	vst v2;
	v2 =	vadd.f32 $1.000000000e+00, v8  }
0x2d: {  	[tilespmem:$0x200] =	vst v6;
	v6 =	vld [tilespmem:$0x330];
	v8 =	vadd.f32 $1.000000000e+00, v9  }
0x2e: {  	v9 =	vld [tilespmem:$0x2E0];
	[tilespmem:$0x370] =	vst v3  }
0x2f: {  	v3 =	vld [tilespmem:$0x320];
	[tilespmem:$0x3E0] =	vst v2;
	v2 =	vadd.f32 $1.000000000e+00, v4  }
0x30: {  	v4 =	vld [tilespmem:$0x270];
	v7 =	vadd.f32 $1.000000000e+00, v7;
	[tilespmem:$0x3A0] =	vst v0  }
0x31: {  	v0 =	vadd.f32 $1.000000000e+00, v1;
	v1 =	vld [tilespmem:$0x260];
	[tilespmem:$0x390] =	vst v8  }
0x32: {  	[tilespmem:$0x230] =	vst v5;
	v5 =	vld [tilespmem:$0x300];
	v6 =	vadd.f32 $1.000000000e+00, v6  }
0x33: {  	v8 =	vadd.f32 $1.000000000e+00, v9;
	v9 =	vld [tilespmem:$0x310];
	[tilespmem:$0x3F0] =	vst v2  }
0x34: {  	v2 =	vadd.f32 $1.000000000e+00, v10;
	v10 =	vld [tilespmem:$0x2F0];
	v3 =	vadd.f32 $1.000000000e+00, v3;
	[tilespmem:$0x340] =	vst v7  }
0x35: {  	v7 =	vld [tilespmem:$0x220];
	[tilespmem:$0x330] =	vst v6  }
0x36: {  	[tilespmem:$0x240] =	vst v0;
	v0 =	vld [tilespmem:$0x2D0]  }
0x37: {  	v1 =	vadd.f32 $1.000000000e+00, v1;
	v6 =	vld [tilespmem:$0x280];
	[tilespmem:$0x2E0] =	vst v8;
	v5 =	vadd.f32 $1.000000000e+00, v5  }
0x38: {  	v8 =	vld [tilespmem:$0x290];
	v9 =	vadd.f32 $1.000000000e+00, v9;
	[tilespmem:$0x320] =	vst v3  }
0x39: {  	v3 =	vadd.f32 $1.000000000e+00, v4;
	v4 =	vld [tilespmem:$0x2C0];
	v10 =	vadd.f32 $1.000000000e+00, v10;
	[tilespmem:$0x300] =	vst v5  }
0x3a: {  	v5 =	vld [tilespmem:$0x2B0];
	[tilespmem:$0x310] =	vst v9  }
0x3b: {  	[tilespmem:$0x260] =	vst v1;
	v0 =	vadd.f32 $1.000000000e+00, v0  }
0x3c: {  	v1 =	vadd.f32 $1.000000000e+00, v7;
	v6 =	vadd.f32 $1.000000000e+00, v6;
	[tilespmem:$0x2F0] =	vst v10;
	v7 =	vld [tilespmem:$0x3D0]  }
0x3d: {  	v9 =	vld [tilespmem:$0x2A0];
	[tilespmem:$0x2D0] =	vst v0  }
0x3e: {  	[tilespmem:$0x250] =	vst v2;
	v0 =	vadd.f32 $1.000000000e+00, v4  }
0x3f: {  	v4 =	vadd.f32 $1.000000000e+00, v8;
	v2 =	vld [tilespmem:$0x210];
	[tilespmem:$0x280] =	vst v6;
	v5 =	vadd.f32 $1.000000000e+00, v5  }
0x40: {  	[tilespmem:$0x2C0] =	vst v0;
	v0 =	vld [tilespmem:$0x350]  }
0x41: {  	[tilespmem:$0x220] =	vst v1;
	v1 =	vadd.f32 $1.000000000e+00, v7  }
0x42: {  	v6 =	vadd.f32 $1.000000000e+00, v9;
	[tilespmem:$0x2B0] =	vst v5  }
0x43: {  	[tilespmem:$0x3D0] =	vst v1  }
0x44: {  	v1 =	vadd.f32 $1.000000000e+00, v2;
	[tilespmem:$0x270] =	vst v3  }
0x45: {  	[tilespmem:$0x2A0] =	vst v6;
	v0 =	vadd.f32 $1.000000000e+00, v0  }
0x46: {  	[tilespmem:$0x210] =	vst v1  }
0x47: {  	[tilespmem:$0x350] =	vst v0  }
0x48: {  	[tilespmem:$0x290] =	vst v4  }
0x49: {  	[hbm4b:s2+s4] =	stream.indirect.scatter [tilespmem:s5], [sflag:$0x2], $0x1, s3, s4, $0xb8;
	[tilespmem:$0x400] =	vst v63  }
0x4a: {  	_ = 	snop  }
0x4b: {  	[hbm4b:s2+s4] =	stream.indirect.scatter [tilespmem:s6], [sflag:$0x2], $0x1, s4, s4, $0xb8;
	[tilespmem:$0x400] =	vst v63  }
0x4c: {  	_ = 	snop  }
0x4d: {  	[hbm4b:s2+s4] =	stream.indirect.scatter [tilespmem:s8], [sflag:$0x2], $0x1, s7, s4, $0xb8;
	[tilespmem:$0x400] =	vst v63  }
0x4e: {  	_ = 	snop  }
0x4f: {  	[hbm4b:s2+s4] =	stream.indirect.scatter [tilespmem:s10], [sflag:$0x2], $0x1, s9, s4, $0xb8;
	[tilespmem:$0x400] =	vst v63  }
0x50: {  	_ =	swait.ge [sflag:s11], $0x80  }
0x51: {  	[sflag:s11] =	ssyncset.done $0x0  }
0x52: {  	[sflag:s11] =	ssyncadd.s32 $0xFFFFFF80  }
0x53: {  	_ =	swait.ge [sflag:s11], $0x80  }
0x54: {  	[sflag:s11] =	ssyncset.done $0x0  }
0x55: {  	[sflag:s11] =	ssyncadd.s32 $0xFFFFFF80  }
0x56: {  	_ =	swait.ge [sflag:s11], $0x80  }
0x57: {  	[sflag:s11] =	ssyncset.done $0x0  }
0x58: {  	[sflag:s11] =	ssyncadd.s32 $0xFFFFFF80  }
0x59: {  	_ =	swait.ge [sflag:s11], $0x80  }
0x5a: {  	[sflag:s11] =	ssyncset.done $0x0  }
0x5b: {  	[sflag:s11] =	ssyncadd.s32 $0xFFFFFF80  }
0x5c: {  	[tilespmem:s3], [sflag:$0x3] =	stream.linear.gather [hbm4b:s13+s3], $0x200, $0x38;
	[tilespmem:$0x400] =	vst v63  }
0x5d: {  	_ =	swait.ge [sflag:s14], $0x200  }
0x5e: {  	[sflag:s14] =	ssyncset.done $0x0  }
0x5f: {  	[sflag:s14] =	ssyncadd.s32 $0xFFFFFE00  }
0x60: {  	[tilespmem:s5], [sflag:$0x1] =	stream.indirect.gather [hbm4b:s12+s4], $0x1, s3, s4, $0xb8;
	[tilespmem:$0x400] =	vst v63  }
0x61: {  	_ = 	snop  }
0x62: {  	[tilespmem:s6], [sflag:$0x1] =	stream.indirect.gather [hbm4b:s12+s4], $0x1, s4, s4, $0xb8;
	[tilespmem:$0x400] =	vst v63  }
0x63: {  	_ = 	snop  }
0x64: {  	[tilespmem:s8], [sflag:$0x1] =	stream.indirect.gather [hbm4b:s12+s4], $0x1, s7, s4, $0xb8;
	[tilespmem:$0x400] =	vst v63  }
0x65: {  	_ = 	snop  }
0x66: {  	[tilespmem:s10], [sflag:$0x1] =	stream.indirect.gather [hbm4b:s12+s4], $0x1, s9, s4, $0xb8;
	[tilespmem:$0x400] =	vst v63  }
0x67: {  	_ =	swait.ge [sflag:s15], $0x80  }
0x68: {  	[sflag:s15] =	ssyncset.done $0x0  }
0x69: {  	[sflag:s15] =	ssyncadd.s32 $0xFFFFFF80  }
0x6a: {  	_ =	swait.ge [sflag:s15], $0x80  }
0x6b: {  	[sflag:s15] =	ssyncset.done $0x0  }
0x6c: {  	[sflag:s15] =	ssyncadd.s32 $0xFFFFFF80  }
0x6d: {  	_ =	swait.ge [sflag:s15], $0x80  }
0x6e: {  	[sflag:s15] =	ssyncset.done $0x0  }
0x6f: {  	[sflag:s15] =	ssyncadd.s32 $0xFFFFFF80  }
.Ltmp1:
0x70: {  	_ =	swait.ge [sflag:s15], $0x80;
	(pc) =	sbr.rel @p0 .LBB2_1-.Ltmp1, $4  }
0x71: {  	[sflag:s15] =	ssyncset.done $0x0  }
0x72: {  	[sflag:s15] =	ssyncadd.s32 $0xFFFFFF80  }
0x73: {  	v0 =	vld [tilespmem:$0x3A0]  }
0x74: {  	v1 =	vld [tilespmem:$0x3B0]  }
.LBB2_2:
0x75: {  	v2 =	vld [tilespmem:$0x360]  }
0x76: {  	v3 =	vld [tilespmem:$0x380]  }
0x77: {  	v4 =	vld [tilespmem:$0x3C0]  }
0x78: {  	v5 =	vld [tilespmem:$0x200];
	v0 =	vadd.f32 $1.000000000e+00, v0  }
0x79: {  	v6 =	vld [tilespmem:$0x370];
	v1 =	vadd.f32 $1.000000000e+00, v1  }
0x7a: {  	v7 =	vld [tilespmem:$0x3E0];
	v2 =	vadd.f32 $1.000000000e+00, v2;
	[tilespmem:$0x3A0] =	vst v0  }
0x7b: {  	v28 =	vld [tilespmem:$0x3F0];
	v3 =	vadd.f32 $1.000000000e+00, v3;
	[tilespmem:$0x3B0] =	vst v1  }
0x7c: {  	v29 =	vld [tilespmem:$0x340];
	v4 =	vadd.f32 $1.000000000e+00, v4;
	[tilespmem:$0x360] =	vst v2  }
0x7d: {  	v30 =	vld [tilespmem:$0x330];
	v5 =	vadd.f32 $1.000000000e+00, v5;
	[tilespmem:$0x380] =	vst v3  }
0x7e: {  	v32 =	vld [tilespmem:$0x2E0];
	v27 =	vadd.f32 $1.000000000e+00, v6;
	[tilespmem:$0x3C0] =	vst v4  }
0x7f: {  	v33 =	vld [tilespmem:$0x320];
	v7 =	vadd.f32 $1.000000000e+00, v7;
	[tilespmem:$0x200] =	vst v5  }
0x80: {  	v35 =	vld [tilespmem:$0x300];
	v6 =	vadd.f32 $1.000000000e+00, v28;
	[tilespmem:$0x370] =	vst v27  }
0x81: {  	v38 =	vld [tilespmem:$0x260];
	v34 =	vadd.f32 $1.000000000e+00, v29;
	[tilespmem:$0x3E0] =	vst v7  }
0x82: {  	v41 =	vld [tilespmem:$0x2D0];
	v36 =	vadd.f32 $1.000000000e+00, v30;
	[tilespmem:$0x3F0] =	vst v6  }
0x83: {  	v42 =	vld [tilespmem:$0x250];
	v39 =	vadd.f32 $1.000000000e+00, v32;
	[tilespmem:$0x340] =	vst v34  }
0x84: {  	v46 =	vld [tilespmem:$0x2C0];
	v0 =	vadd.f32 $1.000000000e+00, v33;
	[tilespmem:$0x330] =	vst v36  }
0x85: {  	v48 =	vld [tilespmem:$0x2B0];
	v43 =	vadd.f32 $1.000000000e+00, v35;
	[tilespmem:$0x2E0] =	vst v39  }
0x86: {  	v51 =	vld [tilespmem:$0x3D0];
	v45 =	vadd.f32 $1.000000000e+00, v38;
	[tilespmem:$0x320] =	vst v0  }
0x87: {  	v52 =	vld [tilespmem:$0x270];
	v49 =	vadd.f32 $1.000000000e+00, v41;
	[tilespmem:$0x300] =	vst v43  }
0x88: {  	v55 =	vld [tilespmem:$0x210];
	v50 =	vadd.f32 $1.000000000e+00, v42;
	[tilespmem:$0x260] =	vst v45  }
0x89: {  	v57 =	vld [tilespmem:$0x350];
	v54 =	vadd.f32 $1.000000000e+00, v46;
	[tilespmem:$0x2D0] =	vst v49  }
0x8a: {  	v58 =	vld [tilespmem:$0x290];
	v56 =	vadd.f32 $1.000000000e+00, v48;
	[tilespmem:$0x250] =	vst v50  }
0x8b: {  	v31 =	vld [tilespmem:$0x240];
	v59 =	vadd.f32 $1.000000000e+00, v51;
	[tilespmem:$0x2C0] =	vst v54  }
0x8c: {  	v25 =	vld [tilespmem:$0x390];
	v60 =	vadd.f32 $1.000000000e+00, v52;
	[tilespmem:$0x2B0] =	vst v56  }
0x8d: {  	v26 =	vld [tilespmem:$0x230];
	v61 =	vadd.f32 $1.000000000e+00, v55;
	[tilespmem:$0x3D0] =	vst v59  }
0x8e: {  	v37 =	vld [tilespmem:$0x310];
	v62 =	vadd.f32 $1.000000000e+00, v57;
	[tilespmem:$0x270] =	vst v60  }
0x8f: {  	v40 =	vld [tilespmem:$0x2F0];
	v63 =	vadd.f32 $1.000000000e+00, v58;
	[tilespmem:$0x210] =	vst v61  }
0x90: {  	v53 =	vld [tilespmem:$0x2A0];
	v1 =	vadd.f32 $1.000000000e+00, v31;
	[tilespmem:$0x350] =	vst v62  }
0x91: {  	v44 =	vld [tilespmem:$0x280];
	v2 =	vadd.f32 $1.000000000e+00, v25;
	[tilespmem:$0x290] =	vst v63  }
0x92: {  	v47 =	vld [tilespmem:$0x220];
	v3 =	vadd.f32 $1.000000000e+00, v26;
	[tilespmem:$0x240] =	vst v1  }
0x93: {  	v5 =	vadd.f32 $1.000000000e+00, v37;
	[tilespmem:$0x390] =	vst v2  }
0x94: {  	v7 =	vadd.f32 $1.000000000e+00, v40;
	[tilespmem:$0x230] =	vst v3  }
0x95: {  	v0 =	vadd.f32 $1.000000000e+00, v53;
	[tilespmem:$0x310] =	vst v5  }
0x96: {  	[tilespmem:$0x2F0] =	vst v7;
	v3 =	vadd.f32 $1.000000000e+00, v44  }
0x97: {  	v2 =	vadd.f32 $1.000000000e+00, v47;
	[tilespmem:$0x2A0] =	vst v0  }
0x98: {  	[tilespmem:$0x280] =	vst v3  }
0x99: {  	[tilespmem:$0x220] =	vst v2  }
0x9a: {  	[hbm4b:s2+s4] =	stream.indirect.scatter [tilespmem:s5], [sflag:$0x2], $0x1, s3, s4, $0xb8;
	[tilespmem:$0x400] =	vst v63  }
0x9b: {  	_ = 	snop  }
0x9c: {  	[hbm4b:s2+s4] =	stream.indirect.scatter [tilespmem:s6], [sflag:$0x2], $0x1, s4, s4, $0xb8;
	[tilespmem:$0x400] =	vst v63  }
0x9d: {  	_ = 	snop  }
0x9e: {  	[hbm4b:s2+s4] =	stream.indirect.scatter [tilespmem:s8], [sflag:$0x2], $0x1, s7, s4, $0xb8;
	[tilespmem:$0x400] =	vst v63  }
0x9f: {  	_ = 	snop  }
0xa0: {  	[hbm4b:s2+s4] =	stream.indirect.scatter [tilespmem:s10], [sflag:$0x2], $0x1, s9, s4, $0xb8;
	[tilespmem:$0x400] =	vst v63  }
0xa1: {  	_ =	swait.ge [sflag:s11], $0x80  }
0xa2: {  	[sflag:s11] =	ssyncset.done $0x0  }
0xa3: {  	[sflag:s11] =	ssyncadd.s32 $0xFFFFFF80  }
0xa4: {  	_ =	swait.ge [sflag:s11], $0x80  }
0xa5: {  	[sflag:s11] =	ssyncset.done $0x0  }
0xa6: {  	[sflag:s11] =	ssyncadd.s32 $0xFFFFFF80  }
0xa7: {  	_ =	swait.ge [sflag:s11], $0x80  }
0xa8: {  	[sflag:s11] =	ssyncset.done $0x0  }
0xa9: {  	[sflag:s11] =	ssyncadd.s32 $0xFFFFFF80  }
0xaa: {  	_ =	swait.ge [sflag:s11], $0x80  }
0xab: {  	[sflag:s11] =	ssyncset.done $0x0  }
0xac: {  	[sflag:s11] =	ssyncadd.s32 $0xFFFFFF80  }
0xad: {  	_ =	sfence.sel $0x180000  }
0xae: {  	[bflag:$0x0] =	sbarrier.arrive $0xFFFF  }
0xaf: {  	p0 =	sne.s32 s1, $0x0;
	_ =	strace $0x90000047  }
0xb0: {  	s0 =	sadd.s32 @!p0 $0x100000, s0;
	[bflag:$0x2] =	sbarrier.arrive $0xFFFF  }
0xb1: {  	[sflag:s0] =	ssyncadd.tile.s32 @!p0 $0x1;
	_ =	shalt  }
.Lfunc_end2:
_tile_overlayer_lowered:
.L_overlay_start_2:
0xb2: {  	(tag) =	ssettag $0x2  }
0xb3: {  	s0 =	rddreg [dreg:$0x0];
	s2 =	stileid.u32  }
0xb4: {  	s1 =	rddreg [dreg:$0x1];
	p0 =	sne.s32 s2, $0x0  }
0xb5: {  	s3 =	rddreg [dreg:$0x2];
	[bflag:$0x3] =	sbarrier.arrive $0xFFFF;
	s2 =	simm.s32 @!p0 $0x1C03  }
0xb6: {  	[timem:s3], [sflag:s2] =	dma.local @!p0 [hbm:s0], s1  }
0xb7: {  	s0 =	simm.s32 @!p0 $0x3  }
0xb8: {  	_ =	swait.ge @!p0 [sflag:s0], s1  }
0xb9: {  	s1 =	ssub.s32 @!p0 $0x0, s1;
	[sflag:s0] =	ssyncset.done @!p0 $0x0  }
0xba: {  	[sflag:s0] =	ssyncadd.s32 @!p0 s1  }
0xbb: {  	[bflag:$0x3] =	sbarrier.arrive $0xFFFF  }
0xbc: {  	_ =	shalt  }

</sc_bundles>
